<compile_context>
chip_gen: v7x
topology: tpu7x:2x2x1
jax: 0.10.2.dev20260603
libtpu: 0.0.44.dev20260713+nightly
codegen_flags: <defaults>
</compile_context>

<pallas_src>
import functools

import jax
import jax.numpy as jnp
from jax import lax
from jax.experimental import pallas as pl
from jax.experimental.pallas import tpu as pltpu
from jax.experimental.pallas import tpu_sc as plsc

N = 10000
E = 320000
D = 128
H = 8
C = 16

NC = 2
NS = 16
EPT = E // NS
BLK = 80
NB = EPT // BLK


def _prep_body(x_ref, w_ref, ms_ref, md_ref, h_ref, a_ref):
    h = jnp.dot(x_ref[...], w_ref[...], preferred_element_type=jnp.float32)
    h_ref[...] = h
    a_s = jnp.dot(h, ms_ref[...], preferred_element_type=jnp.float32)
    a_d = jnp.dot(h, md_ref[...], preferred_element_type=jnp.float32)
    a_ref[...] = jnp.concatenate(
        [a_s, a_d, jnp.zeros((a_s.shape[0], D - 2 * C), jnp.float32)], axis=1)


def _prep(x, W, Ms, Md):
    RB = 1000
    return pl.pallas_call(
        _prep_body,
        grid=(N // RB,),
        in_specs=[
            pl.BlockSpec((RB, D), lambda i: (i, 0)),
            pl.BlockSpec((D, D), lambda i: (0, 0)),
            pl.BlockSpec((D, C), lambda i: (0, 0)),
            pl.BlockSpec((D, C), lambda i: (0, 0)),
        ],
        out_specs=[
            pl.BlockSpec((RB, D), lambda i: (i, 0)),
            pl.BlockSpec((RB, D), lambda i: (i, 0)),
        ],
        out_shape=[
            jax.ShapeDtypeStruct((N, D), jnp.float32),
            jax.ShapeDtypeStruct((N, D), jnp.float32),
        ],
    )(x, W, Ms, Md)


NHALF = N // NC
SROWS = 5120
DUMP = NHALF
ZPT = SROWS // NS


def _sc_body(t2_hbm, packed_hbm, pout,
             rawsd, srcv2, s21v, d21v, idxv, hrows, asbuf, adbuf,
             msgbuf, sh_out, sem1):
    cc = lax.axis_index("c")
    s = lax.axis_index("s")
    nbase = cc * NHALF

    pltpu.sync_copy(packed_hbm.at[pl.ds(s * EPT, EPT)], rawsd)

    def _zmsg(i, _):
        for j in range(D // 16):
            msgbuf[i, pl.ds(16 * j, 16)] = jnp.zeros((16,), jnp.float32)
        return ()
    lax.fori_loop(0, BLK, _zmsg, ())

    zbase = s * ZPT
    for k in range(ZPT // BLK):
        pltpu.sync_copy(msgbuf, sh_out.at[pl.ds(zbase + k * BLK, BLK)])
    plsc.subcore_barrier()

    def _block(b, _):
        boff = b * BLK

        def _idx(g, _):
            pv = rawsd[pl.ds(boff + 16 * g, 16)]
            sv = lax.shift_right_logical(pv, 14)
            dv = lax.bitwise_and(pv, 16383)
            srcv2[pl.ds(16 * g, 16)] = 2 * sv
            s21v[pl.ds(16 * g, 16)] = 2 * sv + 1
            d21v[pl.ds(16 * g, 16)] = 2 * dv + 1
            dl = dv - nbase
            ok = (dl >= 0) & (dl < NHALF)
            idxv[pl.ds(16 * g, 16)] = jnp.where(ok, dl, DUMP)
            return ()
        lax.fori_loop(0, BLK // 16, _idx, ())

        pltpu.async_copy(t2_hbm.at[srcv2], hrows, sem1).wait()
        pltpu.async_copy(t2_hbm.at[s21v], asbuf, sem1).wait()
        pltpu.async_copy(t2_hbm.at[d21v], adbuf, sem1).wait()

        def _edge(e, _):
            av = asbuf[e, pl.ds(0, 16)]
            bv = adbuf[e, pl.ds(16, 16)]
            ev = av + bv
            ev = jnp.maximum(ev, 0.2 * ev)
            wv = jnp.exp(ev)
            for hh in range(H):
                seg = hrows[e, pl.ds(16 * hh, 16)]
                msgbuf[e, pl.ds(16 * hh, 16)] = seg * wv[hh]
            return ()
        lax.fori_loop(0, BLK, _edge, ())

        pltpu.sync_copy(msgbuf, sh_out.at[idxv], add=True)
        return ()

    lax.fori_loop(0, NB, _block, ())
    plsc.subcore_barrier()

    wbase = s * ZPT
    for k in range(ZPT // BLK):
        pltpu.sync_copy(sh_out.at[pl.ds(wbase + k * BLK, BLK)], msgbuf)
        pltpu.sync_copy(msgbuf, pout.at[cc, pl.ds(wbase + k * BLK, BLK)])


def _sc_den_body(t2_hbm, packed_hbm, pden,
                 rawsd, s21v, d21v, idxv, asbuf, adbuf, wbuf, sh_den, sem1):
    cc = lax.axis_index("c")
    s = lax.axis_index("s")
    nbase = cc * NHALF

    pltpu.sync_copy(packed_hbm.at[pl.ds(s * EPT, EPT)], rawsd)

    def _zw(i, _):
        for j in range(D // 16):
            wbuf[i, pl.ds(16 * j, 16)] = jnp.zeros((16,), jnp.float32)
        return ()
    lax.fori_loop(0, BLK, _zw, ())

    zbase = s * ZPT
    for k in range(ZPT // BLK):
        pltpu.sync_copy(wbuf, sh_den.at[pl.ds(zbase + k * BLK, BLK)])
    plsc.subcore_barrier()

    def _block(b, _):
        boff = b * BLK

        def _idx(g, _):
            pv = rawsd[pl.ds(boff + 16 * g, 16)]
            sv = lax.shift_right_logical(pv, 14)
            dv = lax.bitwise_and(pv, 16383)
            s21v[pl.ds(16 * g, 16)] = 2 * sv + 1
            d21v[pl.ds(16 * g, 16)] = 2 * dv + 1
            dl = dv - nbase
            ok = (dl >= 0) & (dl < NHALF)
            idxv[pl.ds(16 * g, 16)] = jnp.where(ok, dl, DUMP)
            return ()
        lax.fori_loop(0, BLK // 16, _idx, ())

        pltpu.async_copy(t2_hbm.at[s21v], asbuf, sem1).wait()
        pltpu.async_copy(t2_hbm.at[d21v], adbuf, sem1).wait()

        def _edge(e, _):
            av = asbuf[e, pl.ds(0, 16)]
            bv = adbuf[e, pl.ds(16, 16)]
            ev = av + bv
            ev = jnp.maximum(ev, 0.2 * ev)
            wbuf[e, pl.ds(0, 16)] = jnp.exp(ev)
            return ()
        lax.fori_loop(0, BLK, _edge, ())

        pltpu.sync_copy(wbuf, sh_den.at[idxv], add=True)
        return ()

    lax.fori_loop(0, NB, _block, ())
    plsc.subcore_barrier()

    wbase = s * ZPT
    for k in range(ZPT // BLK):
        pltpu.sync_copy(sh_den.at[pl.ds(wbase + k * BLK, BLK)], wbuf)
        pltpu.sync_copy(wbuf, pden.at[cc, pl.ds(wbase + k * BLK, BLK)])


def _sc_edges(T2, packed):
    mesh = plsc.VectorSubcoreMesh(core_axis_name="c", subcore_axis_name="s",
                                  num_cores=NC)
    kfn = pl.kernel(
        _sc_body,
        out_type=jax.ShapeDtypeStruct((NC, SROWS, D), jnp.float32),
        mesh=mesh,
        scratch_types=[
            pltpu.VMEM((EPT,), jnp.int32),
            pltpu.VMEM((BLK,), jnp.int32),
            pltpu.VMEM((BLK,), jnp.int32),
            pltpu.VMEM((BLK,), jnp.int32),
            pltpu.VMEM((BLK,), jnp.int32),
            pltpu.VMEM((BLK, D), jnp.float32),
            pltpu.VMEM((BLK, D), jnp.float32),
            pltpu.VMEM((BLK, D), jnp.float32),
            pltpu.VMEM((BLK, D), jnp.float32),
            pltpu.VMEM_SHARED((SROWS, D), jnp.float32),
            pltpu.SemaphoreType.DMA,
        ],
    )
    dfn = pl.kernel(
        _sc_den_body,
        out_type=jax.ShapeDtypeStruct((NC, SROWS, D), jnp.float32),
        mesh=mesh,
        scratch_types=[
            pltpu.VMEM((EPT,), jnp.int32),
            pltpu.VMEM((BLK,), jnp.int32),
            pltpu.VMEM((BLK,), jnp.int32),
            pltpu.VMEM((BLK,), jnp.int32),
            pltpu.VMEM((BLK, D), jnp.float32),
            pltpu.VMEM((BLK, D), jnp.float32),
            pltpu.VMEM((BLK, D), jnp.float32),
            pltpu.VMEM_SHARED((SROWS, D), jnp.float32),
            pltpu.SemaphoreType.DMA,
        ],
    )
    return kfn(T2, packed), dfn(T2, packed)


def _fin_body(po_ref, pd_ref, p_ref, b_ref, o_ref):
    acc = po_ref[0]
    den = pd_ref[0]
    dbc = jnp.dot(den, p_ref[...], preferred_element_type=jnp.float32)
    y = acc / (dbc + 1e-16) + b_ref[...]
    m = jnp.max(y, axis=1, keepdims=True)
    z = y - m
    lse = jnp.log(jnp.sum(jnp.exp(z), axis=1, keepdims=True))
    o_ref[...] = z - lse


def _finish(pout, pden, P, bias):
    RB = 1000
    BPH = NHALF // RB
    return pl.pallas_call(
        _fin_body,
        grid=(NC, BPH),
        in_specs=[
            pl.BlockSpec((1, RB, D), lambda c, j: (c, j, 0)),
            pl.BlockSpec((1, RB, D), lambda c, j: (c, j, 0)),
            pl.BlockSpec((D, D), lambda c, j: (0, 0)),
            pl.BlockSpec((1, D), lambda c, j: (0, 0)),
        ],
        out_specs=pl.BlockSpec((RB, D), lambda c, j: (c * BPH + j, 0)),
        out_shape=jax.ShapeDtypeStruct((N, D), jnp.float32),
    )(pout, pden, P, bias)


def kernel(x, edge_index, W, att_src, att_dst, bias):
    src = edge_index[0].astype(jnp.int32)
    dst = edge_index[1].astype(jnp.int32)

    eye = jnp.eye(H, dtype=jnp.float32)
    Ms = (att_src.T[:, :, None] * eye[None, :, :]).transpose(1, 0, 2).reshape(D, H)
    Md = (att_dst.T[:, :, None] * eye[None, :, :]).transpose(1, 0, 2).reshape(D, H)
    Ms = jnp.pad(Ms, ((0, 0), (0, C - H)))
    Md = jnp.pad(Md, ((0, 0), (0, C - H)))

    P = (eye[:, :, None] * jnp.ones((1, 1, C), jnp.float32)).reshape(H, D)
    P = jnp.pad(P, ((0, D - H), (0, 0)))

    h, arow = _prep(x, W, Ms, Md)
    T2 = jnp.stack([h, arow], axis=1).reshape(2 * N, D)
    packed = src * 16384 + dst
    pout, pden = _sc_edges(T2, packed)
    return _finish(pout, pden, P, bias.reshape(1, D))

# --- scband reference (transcript-rebuilt; emitter-appended) ---
"""Pipeline reference for scband-gatmodel-79319456023390 (READ-ONLY COPY).

The authoritative reference and input builder live on the scoring server;
editing this copy changes nothing except your own understanding.
"""

import jax, jax.numpy as jnp
import numpy as np

N_NODES = 10000
N_EDGES = 320000
D_IN = 128
HEADS = 8
C_OUT = 16  # n_classes (per-head out channels)


def setup_inputs(seed: int = 0) -> dict:
    key = jax.random.key(seed)
    k1, k2, k3, k4, k5, k6 = jax.random.split(key, 6)
    x = jax.random.normal(k1, (N_NODES, D_IN), dtype=jnp.float32)
    edge_index = jax.random.randint(k2, (2, N_EDGES), 0, N_NODES, dtype=jnp.int64)
    W = jax.random.normal(k3, (D_IN, HEADS * C_OUT), dtype=jnp.float32) * 0.1
    att_src = jax.random.normal(k4, (HEADS, C_OUT), dtype=jnp.float32) * 0.1
    att_dst = jax.random.normal(k5, (HEADS, C_OUT), dtype=jnp.float32) * 0.1
    bias = jnp.zeros((HEADS * C_OUT,), dtype=jnp.float32)
    return {
        "x": x,
        "edge_index": edge_index,
        "W": W,
        "att_src": att_src,
        "att_dst": att_dst,
        "bias": bias,
    }


def reference(x, edge_index, W, att_src, att_dst, bias):
    # GATModel.forward in eval mode: dropout is identity.
    N = x.shape[0]
    h = (x @ W).reshape(N, HEADS, C_OUT)  # [N, H, C]
    a_src = (h * att_src[None, :, :]).sum(-1)  # [N, H]
    a_dst = (h * att_dst[None, :, :]).sum(-1)  # [N, H]
    src = edge_index[0]
    dst = edge_index[1]
    e = a_src[src] + a_dst[dst]  # [E, H] (gather)
    e = jax.nn.leaky_relu(e, negative_slope=0.2)
    # segment softmax over incoming edges of each dst node
    emax = jax.ops.segment_max(e, dst, num_segments=N)  # [N, H]
    emax = jnp.where(jnp.isfinite(emax), emax, 0.0)
    eexp = jnp.exp(e - emax[dst])  # [E, H]
    denom = jax.ops.segment_sum(eexp, dst, num_segments=N)  # [N, H]
    alpha = eexp / (denom[dst] + 1e-16)  # [E, H]
    msg = h[src] * alpha[:, :, None]  # [E, H, C] (gather)
    out = jax.ops.segment_sum(msg, dst, num_segments=N)  # [N, H, C] (scatter-add)
    out = out.reshape(N, HEADS * C_OUT) + bias[None, :]
    return jax.nn.log_softmax(out, axis=1)

if __name__ == "__main__":
    import jax
    _d = setup_inputs()
    print(jax.jit(kernel)(*tuple(_d.values())))

</pallas_src>

<mosaic_0001>
#map = affine_map<(d0, d1) -> (0, 0)>
#map1 = affine_map<(d0, d1) -> (0)>
#map2 = affine_map<(d0, d1) -> (0, 0, 0)>
module attributes {stable_mosaic.version = 14 : i64} {
  func.func @_sc_body(%arg0: i32, %arg1: i32, %arg2: memref<20000x128xf32, #tpu.memory_space<hbm>>, %arg3: memref<320000xi32, #tpu.memory_space<hbm>>, %arg4: memref<2x5120x128xf32, #tpu.memory_space<hbm>>, %arg5: memref<20000xi32, #tpu.memory_space<vmem>>, %arg6: memref<80xi32, #tpu.memory_space<vmem>>, %arg7: memref<80xi32, #tpu.memory_space<vmem>>, %arg8: memref<80xi32, #tpu.memory_space<vmem>>, %arg9: memref<80xi32, #tpu.memory_space<vmem>>, %arg10: memref<80x128xf32, #tpu.memory_space<vmem>>, %arg11: memref<80x128xf32, #tpu.memory_space<vmem>>, %arg12: memref<80x128xf32, #tpu.memory_space<vmem>>, %arg13: memref<80x128xf32, #tpu.memory_space<vmem>>, %arg14: memref<5120x128xf32, #tpu.memory_space<vmem_shared>>, %arg15: memref<!tpu.dma_semaphore, #tpu.memory_space<semaphore_mem>>) attributes {dimension_semantics = [#tpu.dimension_semantics<core_parallel>, #tpu.dimension_semantics<subcore_parallel>], iteration_bounds = array<i64: 2, 16>, scalar_prefetch = 0 : i64, scratch_operands = 11 : i64, tpu.core_type = #tpu.core_type<sc_vector_subcore>, window_params = [{transform_indices = #map}, {transform_indices = #map1}, {transform_indices = #map2}]} {
    %mul3A = arith.constant 5000 : i32
    %mul3A_0 = arith.muli %arg0, %mul3A : i32
    %mul3A_1 = arith.constant 20000 : i32
    %mul3A_2 = arith.muli %arg1, %mul3A_1 : i32
    "tpu.region"() ({
      %run_scoped3A = tpu.sem_alloc : memref<!tpu.dma_semaphore, #tpu.memory_space<semaphore_mem>>
      %dma_start3A = tpu.memref_slice %arg3[%mul3A_2] : memref<320000xi32, #tpu.memory_space<hbm>> -> memref<20000xi32, #tpu.memory_space<hbm>>
      %dma_start3A_40 = tpu.memref_slice %arg3[%mul3A_2] : memref<320000xi32, #tpu.memory_space<hbm>> -> memref<20000xi32, #tpu.memory_space<hbm>>
      tpu.enqueue_dma source(%dma_start3A_40 : memref<20000xi32, #tpu.memory_space<hbm>>) target(%arg5 : memref<20000xi32, #tpu.memory_space<vmem>>) target_semaphore(%run_scoped3A : memref<!tpu.dma_semaphore, #tpu.memory_space<semaphore_mem>>)
      %dma_wait3A = tpu.memref_slice %arg3[%mul3A_2] : memref<320000xi32, #tpu.memory_space<hbm>> -> memref<20000xi32, #tpu.memory_space<hbm>>
      %dma_wait3A_41 = tpu.memref_slice %arg3[%mul3A_2] : memref<320000xi32, #tpu.memory_space<hbm>> -> memref<20000xi32, #tpu.memory_space<hbm>>
      tpu.wait_dma2 semaphore(%run_scoped3A : memref<!tpu.dma_semaphore, #tpu.memory_space<semaphore_mem>>) src(%dma_wait3A_41 : memref<20000xi32, #tpu.memory_space<hbm>>) dst(%arg5 : memref<20000xi32, #tpu.memory_space<vmem>>)
      tpu.yield
    }) : () -> ()
    %scan3A = arith.constant 0 : i32
    %scan3A_3 = arith.constant 80 : i32
    %scan3A_4 = arith.addi %scan3A, %scan3A_3 : i32
    %scan3A_5 = arith.constant 1 : i32
    scf.for %scan3A_40 = %scan3A to %scan3A_4 step %scan3A_5  : i32 {
      %broadcast_in_dim3A = arith.constant 0.000000e+00 : f32
      %broadcast_in_dim3A_41 = vector.broadcast %broadcast_in_dim3A : f32 to vector<16xf32>
      %swap3A = arith.index_cast %scan3A_40 : i32 to index
      %swap3A_42 = arith.constant 0 : index
      %swap3A_43 = tpu.vector_load %arg13[%swap3A, %swap3A_42] {strides = array<i32>} : memref<80x128xf32, #tpu.memory_space<vmem>>, vector<1x16xf32>,
      %swap3A_44 = vector.shape_cast %swap3A_43 : vector<1x16xf32> to vector<16xf32>
      %swap3A_45 = vector.shape_cast %broadcast_in_dim3A_41 : vector<16xf32> to vector<1x16xf32>
      tpu.vector_store %arg13[%swap3A, %swap3A_42], %swap3A_45 {strides = array<i32>} : memref<80x128xf32, #tpu.memory_space<vmem>>, vector<1x16xf32>,
      %broadcast_in_dim3A_46 = arith.constant 0.000000e+00 : f32
      %broadcast_in_dim3A_47 = vector.broadcast %broadcast_in_dim3A_46 : f32 to vector<16xf32>
      %swap3A_48 = arith.index_cast %scan3A_40 : i32 to index
      %swap3A_49 = arith.constant 16 : index
      %swap3A_50 = tpu.vector_load %arg13[%swap3A_48, %swap3A_49] {strides = array<i32>} : memref<80x128xf32, #tpu.memory_space<vmem>>, vector<1x16xf32>,
      %swap3A_51 = vector.shape_cast %swap3A_50 : vector<1x16xf32> to vector<16xf32>
      %swap3A_52 = vector.shape_cast %broadcast_in_dim3A_47 : vector<16xf32> to vector<1x16xf32>
      tpu.vector_store %arg13[%swap3A_48, %swap3A_49], %swap3A_52 {strides = array<i32>} : memref<80x128xf32, #tpu.memory_space<vmem>>, vector<1x16xf32>,
      %broadcast_in_dim3A_53 = arith.constant 0.000000e+00 : f32
      %broadcast_in_dim3A_54 = vector.broadcast %broadcast_in_dim3A_53 : f32 to vector<16xf32>
      %swap3A_55 = arith.index_cast %scan3A_40 : i32 to index
      %swap3A_56 = arith.constant 32 : index
      %swap3A_57 = tpu.vector_load %arg13[%swap3A_55, %swap3A_56] {strides = array<i32>} : memref<80x128xf32, #tpu.memory_space<vmem>>, vector<1x16xf32>,
      %swap3A_58 = vector.shape_cast %swap3A_57 : vector<1x16xf32> to vector<16xf32>
      %swap3A_59 = vector.shape_cast %broadcast_in_dim3A_54 : vector<16xf32> to vector<1x16xf32>
      tpu.vector_store %arg13[%swap3A_55, %swap3A_56], %swap3A_59 {strides = array<i32>} : memref<80x128xf32, #tpu.memory_space<vmem>>, vector<1x16xf32>,
      %broadcast_in_dim3A_60 = arith.constant 0.000000e+00 : f32
      %broadcast_in_dim3A_61 = vector.broadcast %broadcast_in_dim3A_60 : f32 to vector<16xf32>
      %swap3A_62 = arith.index_cast %scan3A_40 : i32 to index
      %swap3A_63 = arith.constant 48 : index
      %swap3A_64 = tpu.vector_load %arg13[%swap3A_62, %swap3A_63] {strides = array<i32>} : memref<80x128xf32, #tpu.memory_space<vmem>>, vector<1x16xf32>,
      %swap3A_65 = vector.shape_cast %swap3A_64 : vector<1x16xf32> to vector<16xf32>
      %swap3A_66 = vector.shape_cast %broadcast_in_dim3A_61 : vector<16xf32> to vector<1x16xf32>
      tpu.vector_store %arg13[%swap3A_62, %swap3A_63], %swap3A_66 {strides = array<i32>} : memref<80x128xf32, #tpu.memory_space<vmem>>, vector<1x16xf32>,
      %broadcast_in_dim3A_67 = arith.constant 0.000000e+00 : f32
      %broadcast_in_dim3A_68 = vector.broadcast %broadcast_in_dim3A_67 : f32 to vector<16xf32>
      %swap3A_69 = arith.index_cast %scan3A_40 : i32 to index
      %swap3A_70 = arith.constant 64 : index
      %swap3A_71 = tpu.vector_load %arg13[%swap3A_69, %swap3A_70] {strides = array<i32>} : memref<80x128xf32, #tpu.memory_space<vmem>>, vector<1x16xf32>,
      %swap3A_72 = vector.shape_cast %swap3A_71 : vector<1x16xf32> to vector<16xf32>
      %swap3A_73 = vector.shape_cast %broadcast_in_dim3A_68 : vector<16xf32> to vector<1x16xf32>
      tpu.vector_store %arg13[%swap3A_69, %swap3A_70], %swap3A_73 {strides = array<i32>} : memref<80x128xf32, #tpu.memory_space<vmem>>, vector<1x16xf32>,
      %broadcast_in_dim3A_74 = arith.constant 0.000000e+00 : f32
      %broadcast_in_dim3A_75 = vector.broadcast %broadcast_in_dim3A_74 : f32 to vector<16xf32>
      %swap3A_76 = arith.index_cast %scan3A_40 : i32 to index
      %swap3A_77 = arith.constant 80 : index
      %swap3A_78 = tpu.vector_load %arg13[%swap3A_76, %swap3A_77] {strides = array<i32>} : memref<80x128xf32, #tpu.memory_space<vmem>>, vector<1x16xf32>,
      %swap3A_79 = vector.shape_cast %swap3A_78 : vector<1x16xf32> to vector<16xf32>
      %swap3A_80 = vector.shape_cast %broadcast_in_dim3A_75 : vector<16xf32> to vector<1x16xf32>
      tpu.vector_store %arg13[%swap3A_76, %swap3A_77], %swap3A_80 {strides = array<i32>} : memref<80x128xf32, #tpu.memory_space<vmem>>, vector<1x16xf32>,
      %broadcast_in_dim3A_81 = arith.constant 0.000000e+00 : f32
      %broadcast_in_dim3A_82 = vector.broadcast %broadcast_in_dim3A_81 : f32 to vector<16xf32>
      %swap3A_83 = arith.index_cast %scan3A_40 : i32 to index
      %swap3A_84 = arith.constant 96 : index
      %swap3A_85 = tpu.vector_load %arg13[%swap3A_83, %swap3A_84] {strides = array<i32>} : memref<80x128xf32, #tpu.memory_space<vmem>>, vector<1x16xf32>,
      %swap3A_86 = vector.shape_cast %swap3A_85 : vector<1x16xf32> to vector<16xf32>
      %swap3A_87 = vector.shape_cast %broadcast_in_dim3A_82 : vector<16xf32> to vector<1x16xf32>
      tpu.vector_store %arg13[%swap3A_83, %swap3A_84], %swap3A_87 {strides = array<i32>} : memref<80x128xf32, #tpu.memory_space<vmem>>, vector<1x16xf32>,
      %broadcast_in_dim3A_88 = arith.constant 0.000000e+00 : f32
      %broadcast_in_dim3A_89 = vector.broadcast %broadcast_in_dim3A_88 : f32 to vector<16xf32>
      %swap3A_90 = arith.index_cast %scan3A_40 : i32 to index
      %swap3A_91 = arith.constant 112 : index
      %swap3A_92 = tpu.vector_load %arg13[%swap3A_90, %swap3A_91] {strides = array<i32>} : memref<80x128xf32, #tpu.memory_space<vmem>>, vector<1x16xf32>,
      %swap3A_93 = vector.shape_cast %swap3A_92 : vector<1x16xf32> to vector<16xf32>
      %swap3A_94 = vector.shape_cast %broadcast_in_dim3A_89 : vector<16xf32> to vector<1x16xf32>
      tpu.vector_store %arg13[%swap3A_90, %swap3A_91], %swap3A_94 {strides = array<i32>} : memref<80x128xf32, #tpu.memory_space<vmem>>, vector<1x16xf32>,
    }
    %scan3A_6 = arith.constant 80 : i32
    %mul3A_7 = arith.constant 320 : i32
    %mul3A_8 = arith.muli %arg1, %mul3A_7 : i32
    %add3A = arith.constant 0 : i32
    %add3A_9 = arith.addi %mul3A_8, %add3A : i32
    "tpu.region"() ({
      %run_scoped3A = tpu.sem_alloc : memref<!tpu.dma_semaphore, #tpu.memory_space<semaphore_mem>>
      %dma_start3A = arith.constant 0 : i32
      %dma_start3A_40 = tpu.memref_slice %arg14[%add3A_9, %dma_start3A] : memref<5120x128xf32, #tpu.memory_space<vmem_shared>> -> memref<80x128xf32, #tpu.memory_space<vmem_shared>>
      %dma_start3A_41 = arith.constant 0 : i32
      %dma_start3A_42 = tpu.memref_slice %arg14[%add3A_9, %dma_start3A_41] : memref<5120x128xf32, #tpu.memory_space<vmem_shared>> -> memref<80x128xf32, #tpu.memory_space<vmem_shared>>
      tpu.enqueue_dma source(%arg13 : memref<80x128xf32, #tpu.memory_space<vmem>>) target(%dma_start3A_42 : memref<80x128xf32, #tpu.memory_space<vmem_shared>>) target_semaphore(%run_scoped3A : memref<!tpu.dma_semaphore, #tpu.memory_space<semaphore_mem>>)
      %dma_wait3A = arith.constant 0 : i32
      %dma_wait3A_43 = tpu.memref_slice %arg14[%add3A_9, %dma_wait3A] : memref<5120x128xf32, #tpu.memory_space<vmem_shared>> -> memref<80x128xf32, #tpu.memory_space<vmem_shared>>
      %dma_wait3A_44 = arith.constant 0 : i32
      %dma_wait3A_45 = tpu.memref_slice %arg14[%add3A_9, %dma_wait3A_44] : memref<5120x128xf32, #tpu.memory_space<vmem_shared>> -> memref<80x128xf32, #tpu.memory_space<vmem_shared>>
      tpu.wait_dma2 semaphore(%run_scoped3A : memref<!tpu.dma_semaphore, #tpu.memory_space<semaphore_mem>>) src(%arg13 : memref<80x128xf32, #tpu.memory_space<vmem>>) dst(%dma_wait3A_45 : memref<80x128xf32, #tpu.memory_space<vmem_shared>>)
      tpu.yield
    }) : () -> ()
    %add3A_10 = arith.constant 80 : i32
    %add3A_11 = arith.addi %mul3A_8, %add3A_10 : i32
    "tpu.region"() ({
      %run_scoped3A = tpu.sem_alloc : memref<!tpu.dma_semaphore, #tpu.memory_space<semaphore_mem>>
      %dma_start3A = arith.constant 0 : i32
      %dma_start3A_40 = tpu.memref_slice %arg14[%add3A_11, %dma_start3A] : memref<5120x128xf32, #tpu.memory_space<vmem_shared>> -> memref<80x128xf32, #tpu.memory_space<vmem_shared>>
      %dma_start3A_41 = arith.constant 0 : i32
      %dma_start3A_42 = tpu.memref_slice %arg14[%add3A_11, %dma_start3A_41] : memref<5120x128xf32, #tpu.memory_space<vmem_shared>> -> memref<80x128xf32, #tpu.memory_space<vmem_shared>>
      tpu.enqueue_dma source(%arg13 : memref<80x128xf32, #tpu.memory_space<vmem>>) target(%dma_start3A_42 : memref<80x128xf32, #tpu.memory_space<vmem_shared>>) target_semaphore(%run_scoped3A : memref<!tpu.dma_semaphore, #tpu.memory_space<semaphore_mem>>)
      %dma_wait3A = arith.constant 0 : i32
      %dma_wait3A_43 = tpu.memref_slice %arg14[%add3A_11, %dma_wait3A] : memref<5120x128xf32, #tpu.memory_space<vmem_shared>> -> memref<80x128xf32, #tpu.memory_space<vmem_shared>>
      %dma_wait3A_44 = arith.constant 0 : i32
      %dma_wait3A_45 = tpu.memref_slice %arg14[%add3A_11, %dma_wait3A_44] : memref<5120x128xf32, #tpu.memory_space<vmem_shared>> -> memref<80x128xf32, #tpu.memory_space<vmem_shared>>
      tpu.wait_dma2 semaphore(%run_scoped3A : memref<!tpu.dma_semaphore, #tpu.memory_space<semaphore_mem>>) src(%arg13 : memref<80x128xf32, #tpu.memory_space<vmem>>) dst(%dma_wait3A_45 : memref<80x128xf32, #tpu.memory_space<vmem_shared>>)
      tpu.yield
    }) : () -> ()
    %add3A_12 = arith.constant 160 : i32
    %add3A_13 = arith.addi %mul3A_8, %add3A_12 : i32
    "tpu.region"() ({
      %run_scoped3A = tpu.sem_alloc : memref<!tpu.dma_semaphore, #tpu.memory_space<semaphore_mem>>
      %dma_start3A = arith.constant 0 : i32
      %dma_start3A_40 = tpu.memref_slice %arg14[%add3A_13, %dma_start3A] : memref<5120x128xf32, #tpu.memory_space<vmem_shared>> -> memref<80x128xf32, #tpu.memory_space<vmem_shared>>
      %dma_start3A_41 = arith.constant 0 : i32
      %dma_start3A_42 = tpu.memref_slice %arg14[%add3A_13, %dma_start3A_41] : memref<5120x128xf32, #tpu.memory_space<vmem_shared>> -> memref<80x128xf32, #tpu.memory_space<vmem_shared>>
      tpu.enqueue_dma source(%arg13 : memref<80x128xf32, #tpu.memory_space<vmem>>) target(%dma_start3A_42 : memref<80x128xf32, #tpu.memory_space<vmem_shared>>) target_semaphore(%run_scoped3A : memref<!tpu.dma_semaphore, #tpu.memory_space<semaphore_mem>>)
      %dma_wait3A = arith.constant 0 : i32
      %dma_wait3A_43 = tpu.memref_slice %arg14[%add3A_13, %dma_wait3A] : memref<5120x128xf32, #tpu.memory_space<vmem_shared>> -> memref<80x128xf32, #tpu.memory_space<vmem_shared>>
      %dma_wait3A_44 = arith.constant 0 : i32
      %dma_wait3A_45 = tpu.memref_slice %arg14[%add3A_13, %dma_wait3A_44] : memref<5120x128xf32, #tpu.memory_space<vmem_shared>> -> memref<80x128xf32, #tpu.memory_space<vmem_shared>>
      tpu.wait_dma2 semaphore(%run_scoped3A : memref<!tpu.dma_semaphore, #tpu.memory_space<semaphore_mem>>) src(%arg13 : memref<80x128xf32, #tpu.memory_space<vmem>>) dst(%dma_wait3A_45 : memref<80x128xf32, #tpu.memory_space<vmem_shared>>)
      tpu.yield
    }) : () -> ()
    %add3A_14 = arith.constant 240 : i32
    %add3A_15 = arith.addi %mul3A_8, %add3A_14 : i32
    "tpu.region"() ({
      %run_scoped3A = tpu.sem_alloc : memref<!tpu.dma_semaphore, #tpu.memory_space<semaphore_mem>>
      %dma_start3A = arith.constant 0 : i32
      %dma_start3A_40 = tpu.memref_slice %arg14[%add3A_15, %dma_start3A] : memref<5120x128xf32, #tpu.memory_space<vmem_shared>> -> memref<80x128xf32, #tpu.memory_space<vmem_shared>>
      %dma_start3A_41 = arith.constant 0 : i32
      %dma_start3A_42 = tpu.memref_slice %arg14[%add3A_15, %dma_start3A_41] : memref<5120x128xf32, #tpu.memory_space<vmem_shared>> -> memref<80x128xf32, #tpu.memory_space<vmem_shared>>
      tpu.enqueue_dma source(%arg13 : memref<80x128xf32, #tpu.memory_space<vmem>>) target(%dma_start3A_42 : memref<80x128xf32, #tpu.memory_space<vmem_shared>>) target_semaphore(%run_scoped3A : memref<!tpu.dma_semaphore, #tpu.memory_space<semaphore_mem>>)
      %dma_wait3A = arith.constant 0 : i32
      %dma_wait3A_43 = tpu.memref_slice %arg14[%add3A_15, %dma_wait3A] : memref<5120x128xf32, #tpu.memory_space<vmem_shared>> -> memref<80x128xf32, #tpu.memory_space<vmem_shared>>
      %dma_wait3A_44 = arith.constant 0 : i32
      %dma_wait3A_45 = tpu.memref_slice %arg14[%add3A_15, %dma_wait3A_44] : memref<5120x128xf32, #tpu.memory_space<vmem_shared>> -> memref<80x128xf32, #tpu.memory_space<vmem_shared>>
      tpu.wait_dma2 semaphore(%run_scoped3A : memref<!tpu.dma_semaphore, #tpu.memory_space<semaphore_mem>>) src(%arg13 : memref<80x128xf32, #tpu.memory_space<vmem>>) dst(%dma_wait3A_45 : memref<80x128xf32, #tpu.memory_space<vmem_shared>>)
      tpu.yield
    }) : () -> ()
    %barrier3A = arith.constant 0 : index
    tpu.barrier barrier_id(%barrier3A)
    %scan3A_16 = arith.constant 0 : i32
    %scan3A_17 = arith.constant 250 : i32
    %scan3A_18 = arith.addi %scan3A_16, %scan3A_17 : i32
    %scan3A_19 = arith.constant 1 : i32
    scf.for %scan3A_40 = %scan3A_16 to %scan3A_18 step %scan3A_19  : i32 {
      %mul3A_41 = arith.constant 80 : i32
      %mul3A_42 = arith.muli %scan3A_40, %mul3A_41 : i32
      %scan3A_43 = arith.constant 0 : i32
      %scan3A_44 = arith.constant 5 : i32
      %scan3A_45 = arith.addi %scan3A_43, %scan3A_44 : i32
      %scan3A_46 = arith.constant 1 : i32
      scf.for %scan3A_69 = %scan3A_43 to %scan3A_45 step %scan3A_46  : i32 {
        %mul3A_70 = arith.constant 16 : i32
        %mul3A_71 = arith.muli %mul3A_70, %scan3A_69 : i32
        %add3A_72 = arith.addi %mul3A_42, %mul3A_71 : i32
        %get3A = arith.index_cast %add3A_72 : i32 to index
        %get3A_73 = tpu.vector_load %arg5[%get3A] {strides = array<i32>} : memref<20000xi32, #tpu.memory_space<vmem>>, vector<16xi32>,
        %get3A_74 = vector.shape_cast %get3A_73 : vector<16xi32> to vector<16xi32>
        %shift_right_logical3A = arith.constant 14 : i32
        %shift_right_logical3A_75 = vector.broadcast %shift_right_logical3A : i32 to vector<16xi32>
        %shift_right_logical3A_76 = arith.shrui %get3A_74, %shift_right_logical3A_75 : vector<16xi32>
        %and3A = arith.constant 16383 : i32
        %and3A_77 = vector.broadcast %and3A : i32 to vector<16xi32>
        %and3A_78 = arith.andi %get3A_74, %and3A_77 : vector<16xi32>
        %mul3A_79 = arith.constant 2 : i32
        %mul3A_80 = vector.broadcast %mul3A_79 : i32 to vector<16xi32>
        %mul3A_81 = arith.muli %mul3A_80, %shift_right_logical3A_76 : vector<16xi32>
        %mul3A_82 = arith.constant 16 : i32
        %mul3A_83 = arith.muli %mul3A_82, %scan3A_69 : i32
        %swap3A = arith.index_cast %mul3A_83 : i32 to index
        %swap3A_84 = tpu.vector_load %arg6[%swap3A] {strides = array<i32>} : memref<80xi32, #tpu.memory_space<vmem>>, vector<16xi32>,
        %swap3A_85 = vector.shape_cast %swap3A_84 : vector<16xi32> to vector<16xi32>
        %swap3A_86 = vector.shape_cast %mul3A_81 : vector<16xi32> to vector<16xi32>
        tpu.vector_store %arg6[%swap3A], %swap3A_86 {strides = array<i32>} : memref<80xi32, #tpu.memory_space<vmem>>, vector<16xi32>,
        %mul3A_87 = arith.constant 2 : i32
        %mul3A_88 = vector.broadcast %mul3A_87 : i32 to vector<16xi32>
        %mul3A_89 = arith.muli %mul3A_88, %shift_right_logical3A_76 : vector<16xi32>
        %add3A_90 = arith.constant 1 : i32
        %add3A_91 = vector.broadcast %add3A_90 : i32 to vector<16xi32>
        %add3A_92 = arith.addi %mul3A_89, %add3A_91 : vector<16xi32>
        %mul3A_93 = arith.constant 16 : i32
        %mul3A_94 = arith.muli %mul3A_93, %scan3A_69 : i32
        %swap3A_95 = arith.index_cast %mul3A_94 : i32 to index
        %swap3A_96 = tpu.vector_load %arg7[%swap3A_95] {strides = array<i32>} : memref<80xi32, #tpu.memory_space<vmem>>, vector<16xi32>,
        %swap3A_97 = vector.shape_cast %swap3A_96 : vector<16xi32> to vector<16xi32>
        %swap3A_98 = vector.shape_cast %add3A_92 : vector<16xi32> to vector<16xi32>
        tpu.vector_store %arg7[%swap3A_95], %swap3A_98 {strides = array<i32>} : memref<80xi32, #tpu.memory_space<vmem>>, vector<16xi32>,
        %mul3A_99 = arith.constant 2 : i32
        %mul3A_100 = vector.broadcast %mul3A_99 : i32 to vector<16xi32>
        %mul3A_101 = arith.muli %mul3A_100, %and3A_78 : vector<16xi32>
        %add3A_102 = arith.constant 1 : i32
        %add3A_103 = vector.broadcast %add3A_102 : i32 to vector<16xi32>
        %add3A_104 = arith.addi %mul3A_101, %add3A_103 : vector<16xi32>
        %mul3A_105 = arith.constant 16 : i32
        %mul3A_106 = arith.muli %mul3A_105, %scan3A_69 : i32
        %swap3A_107 = arith.index_cast %mul3A_106 : i32 to index
        %swap3A_108 = tpu.vector_load %arg8[%swap3A_107] {strides = array<i32>} : memref<80xi32, #tpu.memory_space<vmem>>, vector<16xi32>,
        %swap3A_109 = vector.shape_cast %swap3A_108 : vector<16xi32> to vector<16xi32>
        %swap3A_110 = vector.shape_cast %add3A_104 : vector<16xi32> to vector<16xi32>
        tpu.vector_store %arg8[%swap3A_107], %swap3A_110 {strides = array<i32>} : memref<80xi32, #tpu.memory_space<vmem>>, vector<16xi32>,
        %sub3A = vector.broadcast %mul3A_0 : i32 to vector<16xi32>
        %sub3A_111 = arith.subi %and3A_78, %sub3A : vector<16xi32>
        %ge3A = arith.constant 0 : i32
        %ge3A_112 = vector.broadcast %ge3A : i32 to vector<16xi32>
        %ge3A_113 = arith.cmpi sge, %sub3A_111, %ge3A_112 : vector<16xi32>
        %lt3A = arith.constant 5000 : i32
        %lt3A_114 = vector.broadcast %lt3A : i32 to vector<16xi32>
        %lt3A_115 = arith.cmpi slt, %sub3A_111, %lt3A_114 : vector<16xi32>
        %and3A_116 = arith.andi %ge3A_113, %lt3A_115 : vector<16xi1>
        %jit3A = arith.constant 5000 : i32
        %broadcast_in_dim3A = vector.broadcast %jit3A : i32 to vector<16xi32>
        %select_n3A = arith.select %and3A_116, %sub3A_111, %broadcast_in_dim3A : vector<16xi1>, vector<16xi32>
        %mul3A_117 = arith.constant 16 : i32
        %mul3A_118 = arith.muli %mul3A_117, %scan3A_69 : i32
        %swap3A_119 = arith.index_cast %mul3A_118 : i32 to index
        %swap3A_120 = tpu.vector_load %arg9[%swap3A_119] {strides = array<i32>} : memref<80xi32, #tpu.memory_space<vmem>>, vector<16xi32>,
        %swap3A_121 = vector.shape_cast %swap3A_120 : vector<16xi32> to vector<16xi32>
        %swap3A_122 = vector.shape_cast %select_n3A : vector<16xi32> to vector<16xi32>
        tpu.vector_store %arg9[%swap3A_119], %swap3A_122 {strides = array<i32>} : memref<80xi32, #tpu.memory_space<vmem>>, vector<16xi32>,
      }
      %scan3A_47 = arith.constant 5 : i32
      %dma_start3A = arith.constant 0 : i32
      %dma_start3A_48 = arith.constant 0 : i32
      %dma_start3A_49 = tpu.memref_slice %arg2[%dma_start3A, %dma_start3A_48] : memref<20000x128xf32, #tpu.memory_space<hbm>> -> memref<20000x128xf32, #tpu.memory_space<hbm>>
      tpu.enqueue_indirect_dma source(%dma_start3A_49 : memref<20000x128xf32, #tpu.memory_space<hbm>>) target(%arg10 : memref<80x128xf32, #tpu.memory_space<vmem>>) offsets(%arg6 : memref<80xi32, #tpu.memory_space<vmem>>) semaphore(%arg15 : memref<!tpu.dma_semaphore, #tpu.memory_space<semaphore_mem>>)
      %dma_wait3A = arith.constant 0 : i32
      %dma_wait3A_50 = arith.constant 0 : i32
      %dma_wait3A_51 = tpu.memref_slice %arg2[%dma_wait3A, %dma_wait3A_50] : memref<20000x128xf32, #tpu.memory_space<hbm>> -> memref<20000x128xf32, #tpu.memory_space<hbm>>
      tpu.wait_indirect_dma semaphore(%arg15 : memref<!tpu.dma_semaphore, #tpu.memory_space<semaphore_mem>>) src(%dma_wait3A_51 : memref<20000x128xf32, #tpu.memory_space<hbm>>) dst(%arg10 : memref<80x128xf32, #tpu.memory_space<vmem>>)
      %dma_start3A_52 = arith.constant 0 : i32
      %dma_start3A_53 = arith.constant 0 : i32
      %dma_start3A_54 = tpu.memref_slice %arg2[%dma_start3A_52, %dma_start3A_53] : memref<20000x128xf32, #tpu.memory_space<hbm>> -> memref<20000x128xf32, #tpu.memory_space<hbm>>
      tpu.enqueue_indirect_dma source(%dma_start3A_54 : memref<20000x128xf32, #tpu.memory_space<hbm>>) target(%arg11 : memref<80x128xf32, #tpu.memory_space<vmem>>) offsets(%arg7 : memref<80xi32, #tpu.memory_space<vmem>>) semaphore(%arg15 : memref<!tpu.dma_semaphore, #tpu.memory_space<semaphore_mem>>)
      %dma_wait3A_55 = arith.constant 0 : i32
      %dma_wait3A_56 = arith.constant 0 : i32
      %dma_wait3A_57 = tpu.memref_slice %arg2[%dma_wait3A_55, %dma_wait3A_56] : memref<20000x128xf32, #tpu.memory_space<hbm>> -> memref<20000x128xf32, #tpu.memory_space<hbm>>
      tpu.wait_indirect_dma semaphore(%arg15 : memref<!tpu.dma_semaphore, #tpu.memory_space<semaphore_mem>>) src(%dma_wait3A_57 : memref<20000x128xf32, #tpu.memory_space<hbm>>) dst(%arg11 : memref<80x128xf32, #tpu.memory_space<vmem>>)
      %dma_start3A_58 = arith.constant 0 : i32
      %dma_start3A_59 = arith.constant 0 : i32
      %dma_start3A_60 = tpu.memref_slice %arg2[%dma_start3A_58, %dma_start3A_59] : memref<20000x128xf32, #tpu.memory_space<hbm>> -> memref<20000x128xf32, #tpu.memory_space<hbm>>
      tpu.enqueue_indirect_dma source(%dma_start3A_60 : memref<20000x128xf32, #tpu.memory_space<hbm>>) target(%arg12 : memref<80x128xf32, #tpu.memory_space<vmem>>) offsets(%arg8 : memref<80xi32, #tpu.memory_space<vmem>>) semaphore(%arg15 : memref<!tpu.dma_semaphore, #tpu.memory_space<semaphore_mem>>)
      %dma_wait3A_61 = arith.constant 0 : i32
      %dma_wait3A_62 = arith.constant 0 : i32
      %dma_wait3A_63 = tpu.memref_slice %arg2[%dma_wait3A_61, %dma_wait3A_62] : memref<20000x128xf32, #tpu.memory_space<hbm>> -> memref<20000x128xf32, #tpu.memory_space<hbm>>
      tpu.wait_indirect_dma semaphore(%arg15 : memref<!tpu.dma_semaphore, #tpu.memory_space<semaphore_mem>>) src(%dma_wait3A_63 : memref<20000x128xf32, #tpu.memory_space<hbm>>) dst(%arg12 : memref<80x128xf32, #tpu.memory_space<vmem>>)
      %scan3A_64 = arith.constant 0 : i32
      %scan3A_65 = arith.constant 80 : i32
      %scan3A_66 = arith.addi %scan3A_64, %scan3A_65 : i32
      %scan3A_67 = arith.constant 1 : i32
      scf.for %scan3A_69 = %scan3A_64 to %scan3A_66 step %scan3A_67  : i32 {
        %get3A = arith.index_cast %scan3A_69 : i32 to index
        %get3A_70 = arith.constant 0 : index
        %get3A_71 = tpu.vector_load %arg11[%get3A, %get3A_70] {strides = array<i32>} : memref<80x128xf32, #tpu.memory_space<vmem>>, vector<1x16xf32>,
        %get3A_72 = vector.shape_cast %get3A_71 : vector<1x16xf32> to vector<16xf32>
        %get3A_73 = arith.index_cast %scan3A_69 : i32 to index
        %get3A_74 = arith.constant 16 : index
        %get3A_75 = tpu.vector_load %arg12[%get3A_73, %get3A_74] {strides = array<i32>} : memref<80x128xf32, #tpu.memory_space<vmem>>, vector<1x16xf32>,
        %get3A_76 = vector.shape_cast %get3A_75 : vector<1x16xf32> to vector<16xf32>
        %add3A_77 = arith.addf %get3A_72, %get3A_76 : vector<16xf32>
        %mul3A_78 = arith.constant 2.000000e-01 : f32
        %mul3A_79 = vector.broadcast %mul3A_78 : f32 to vector<16xf32>
        %mul3A_80 = arith.mulf %mul3A_79, %add3A_77 : vector<16xf32>
        %max3A = arith.maximumf %add3A_77, %mul3A_80 : vector<16xf32>
        %exp3A = math.exp %max3A : vector<16xf32>
        %get3A_81 = arith.index_cast %scan3A_69 : i32 to index
        %get3A_82 = arith.constant 0 : index
        %get3A_83 = tpu.vector_load %arg10[%get3A_81, %get3A_82] {strides = array<i32>} : memref<80x128xf32, #tpu.memory_space<vmem>>, vector<1x16xf32>,
        %get3A_84 = vector.shape_cast %get3A_83 : vector<1x16xf32> to vector<16xf32>
        %slice3A = vector.extract_strided_slice %exp3A {offsets = [0], sizes = [1], strides = [1]} : vector<16xf32> to vector<1xf32>
        %squeeze3A = vector.extract %slice3A[0] : f32 from vector<1xf32>
        %mul3A_85 = vector.broadcast %squeeze3A : f32 to vector<16xf32>
        %mul3A_86 = arith.mulf %get3A_84, %mul3A_85 : vector<16xf32>
        %swap3A = arith.index_cast %scan3A_69 : i32 to index
        %swap3A_87 = arith.constant 0 : index
        %swap3A_88 = tpu.vector_load %arg13[%swap3A, %swap3A_87] {strides = array<i32>} : memref<80x128xf32, #tpu.memory_space<vmem>>, vector<1x16xf32>,
        %swap3A_89 = vector.shape_cast %swap3A_88 : vector<1x16xf32> to vector<16xf32>
        %swap3A_90 = vector.shape_cast %mul3A_86 : vector<16xf32> to vector<1x16xf32>
        tpu.vector_store %arg13[%swap3A, %swap3A_87], %swap3A_90 {strides = array<i32>} : memref<80x128xf32, #tpu.memory_space<vmem>>, vector<1x16xf32>,
        %get3A_91 = arith.index_cast %scan3A_69 : i32 to index
        %get3A_92 = arith.constant 16 : index
        %get3A_93 = tpu.vector_load %arg10[%get3A_91, %get3A_92] {strides = array<i32>} : memref<80x128xf32, #tpu.memory_space<vmem>>, vector<1x16xf32>,
        %get3A_94 = vector.shape_cast %get3A_93 : vector<1x16xf32> to vector<16xf32>
        %slice3A_95 = vector.extract_strided_slice %exp3A {offsets = [1], sizes = [1], strides = [1]} : vector<16xf32> to vector<1xf32>
        %squeeze3A_96 = vector.extract %slice3A_95[0] : f32 from vector<1xf32>
        %mul3A_97 = vector.broadcast %squeeze3A_96 : f32 to vector<16xf32>
        %mul3A_98 = arith.mulf %get3A_94, %mul3A_97 : vector<16xf32>
        %swap3A_99 = arith.index_cast %scan3A_69 : i32 to index
        %swap3A_100 = arith.constant 16 : index
        %swap3A_101 = tpu.vector_load %arg13[%swap3A_99, %swap3A_100] {strides = array<i32>} : memref<80x128xf32, #tpu.memory_space<vmem>>, vector<1x16xf32>,
        %swap3A_102 = vector.shape_cast %swap3A_101 : vector<1x16xf32> to vector<16xf32>
        %swap3A_103 = vector.shape_cast %mul3A_98 : vector<16xf32> to vector<1x16xf32>
        tpu.vector_store %arg13[%swap3A_99, %swap3A_100], %swap3A_103 {strides = array<i32>} : memref<80x128xf32, #tpu.memory_space<vmem>>, vector<1x16xf32>,
        %get3A_104 = arith.index_cast %scan3A_69 : i32 to index
        %get3A_105 = arith.constant 32 : index
        %get3A_106 = tpu.vector_load %arg10[%get3A_104, %get3A_105] {strides = array<i32>} : memref<80x128xf32, #tpu.memory_space<vmem>>, vector<1x16xf32>,
        %get3A_107 = vector.shape_cast %get3A_106 : vector<1x16xf32> to vector<16xf32>
        %slice3A_108 = vector.extract_strided_slice %exp3A {offsets = [2], sizes = [1], strides = [1]} : vector<16xf32> to vector<1xf32>
        %squeeze3A_109 = vector.extract %slice3A_108[0] : f32 from vector<1xf32>
        %mul3A_110 = vector.broadcast %squeeze3A_109 : f32 to vector<16xf32>
        %mul3A_111 = arith.mulf %get3A_107, %mul3A_110 : vector<16xf32>
        %swap3A_112 = arith.index_cast %scan3A_69 : i32 to index
        %swap3A_113 = arith.constant 32 : index
        %swap3A_114 = tpu.vector_load %arg13[%swap3A_112, %swap3A_113] {strides = array<i32>} : memref<80x128xf32, #tpu.memory_space<vmem>>, vector<1x16xf32>,
        %swap3A_115 = vector.shape_cast %swap3A_114 : vector<1x16xf32> to vector<16xf32>
        %swap3A_116 = vector.shape_cast %mul3A_111 : vector<16xf32> to vector<1x16xf32>
        tpu.vector_store %arg13[%swap3A_112, %swap3A_113], %swap3A_116 {strides = array<i32>} : memref<80x128xf32, #tpu.memory_space<vmem>>, vector<1x16xf32>,
        %get3A_117 = arith.index_cast %scan3A_69 : i32 to index
        %get3A_118 = arith.constant 48 : index
        %get3A_119 = tpu.vector_load %arg10[%get3A_117, %get3A_118] {strides = array<i32>} : memref<80x128xf32, #tpu.memory_space<vmem>>, vector<1x16xf32>,
        %get3A_120 = vector.shape_cast %get3A_119 : vector<1x16xf32> to vector<16xf32>
        %slice3A_121 = vector.extract_strided_slice %exp3A {offsets = [3], sizes = [1], strides = [1]} : vector<16xf32> to vector<1xf32>
        %squeeze3A_122 = vector.extract %slice3A_121[0] : f32 from vector<1xf32>
        %mul3A_123 = vector.broadcast %squeeze3A_122 : f32 to vector<16xf32>
        %mul3A_124 = arith.mulf %get3A_120, %mul3A_123 : vector<16xf32>
        %swap3A_125 = arith.index_cast %scan3A_69 : i32 to index
        %swap3A_126 = arith.constant 48 : index
        %swap3A_127 = tpu.vector_load %arg13[%swap3A_125, %swap3A_126] {strides = array<i32>} : memref<80x128xf32, #tpu.memory_space<vmem>>, vector<1x16xf32>,
        %swap3A_128 = vector.shape_cast %swap3A_127 : vector<1x16xf32> to vector<16xf32>
        %swap3A_129 = vector.shape_cast %mul3A_124 : vector<16xf32> to vector<1x16xf32>
        tpu.vector_store %arg13[%swap3A_125, %swap3A_126], %swap3A_129 {strides = array<i32>} : memref<80x128xf32, #tpu.memory_space<vmem>>, vector<1x16xf32>,
        %get3A_130 = arith.index_cast %scan3A_69 : i32 to index
        %get3A_131 = arith.constant 64 : index
        %get3A_132 = tpu.vector_load %arg10[%get3A_130, %get3A_131] {strides = array<i32>} : memref<80x128xf32, #tpu.memory_space<vmem>>, vector<1x16xf32>,
        %get3A_133 = vector.shape_cast %get3A_132 : vector<1x16xf32> to vector<16xf32>
        %slice3A_134 = vector.extract_strided_slice %exp3A {offsets = [4], sizes = [1], strides = [1]} : vector<16xf32> to vector<1xf32>
        %squeeze3A_135 = vector.extract %slice3A_134[0] : f32 from vector<1xf32>
        %mul3A_136 = vector.broadcast %squeeze3A_135 : f32 to vector<16xf32>
        %mul3A_137 = arith.mulf %get3A_133, %mul3A_136 : vector<16xf32>
        %swap3A_138 = arith.index_cast %scan3A_69 : i32 to index
        %swap3A_139 = arith.constant 64 : index
        %swap3A_140 = tpu.vector_load %arg13[%swap3A_138, %swap3A_139] {strides = array<i32>} : memref<80x128xf32, #tpu.memory_space<vmem>>, vector<1x16xf32>,
        %swap3A_141 = vector.shape_cast %swap3A_140 : vector<1x16xf32> to vector<16xf32>
        %swap3A_142 = vector.shape_cast %mul3A_137 : vector<16xf32> to vector<1x16xf32>
        tpu.vector_store %arg13[%swap3A_138, %swap3A_139], %swap3A_142 {strides = array<i32>} : memref<80x128xf32, #tpu.memory_space<vmem>>, vector<1x16xf32>,
        %get3A_143 = arith.index_cast %scan3A_69 : i32 to index
        %get3A_144 = arith.constant 80 : index
        %get3A_145 = tpu.vector_load %arg10[%get3A_143, %get3A_144] {strides = array<i32>} : memref<80x128xf32, #tpu.memory_space<vmem>>, vector<1x16xf32>,
        %get3A_146 = vector.shape_cast %get3A_145 : vector<1x16xf32> to vector<16xf32>
        %slice3A_147 = vector.extract_strided_slice %exp3A {offsets = [5], sizes = [1], strides = [1]} : vector<16xf32> to vector<1xf32>
        %squeeze3A_148 = vector.extract %slice3A_147[0] : f32 from vector<1xf32>
        %mul3A_149 = vector.broadcast %squeeze3A_148 : f32 to vector<16xf32>
        %mul3A_150 = arith.mulf %get3A_146, %mul3A_149 : vector<16xf32>
        %swap3A_151 = arith.index_cast %scan3A_69 : i32 to index
        %swap3A_152 = arith.constant 80 : index
        %swap3A_153 = tpu.vector_load %arg13[%swap3A_151, %swap3A_152] {strides = array<i32>} : memref<80x128xf32, #tpu.memory_space<vmem>>, vector<1x16xf32>,
        %swap3A_154 = vector.shape_cast %swap3A_153 : vector<1x16xf32> to vector<16xf32>
        %swap3A_155 = vector.shape_cast %mul3A_150 : vector<16xf32> to vector<1x16xf32>
        tpu.vector_store %arg13[%swap3A_151, %swap3A_152], %swap3A_155 {strides = array<i32>} : memref<80x128xf32, #tpu.memory_space<vmem>>, vector<1x16xf32>,
        %get3A_156 = arith.index_cast %scan3A_69 : i32 to index
        %get3A_157 = arith.constant 96 : index
        %get3A_158 = tpu.vector_load %arg10[%get3A_156, %get3A_157] {strides = array<i32>} : memref<80x128xf32, #tpu.memory_space<vmem>>, vector<1x16xf32>,
        %get3A_159 = vector.shape_cast %get3A_158 : vector<1x16xf32> to vector<16xf32>
        %slice3A_160 = vector.extract_strided_slice %exp3A {offsets = [6], sizes = [1], strides = [1]} : vector<16xf32> to vector<1xf32>
        %squeeze3A_161 = vector.extract %slice3A_160[0] : f32 from vector<1xf32>
        %mul3A_162 = vector.broadcast %squeeze3A_161 : f32 to vector<16xf32>
        %mul3A_163 = arith.mulf %get3A_159, %mul3A_162 : vector<16xf32>
        %swap3A_164 = arith.index_cast %scan3A_69 : i32 to index
        %swap3A_165 = arith.constant 96 : index
        %swap3A_166 = tpu.vector_load %arg13[%swap3A_164, %swap3A_165] {strides = array<i32>} : memref<80x128xf32, #tpu.memory_space<vmem>>, vector<1x16xf32>,
        %swap3A_167 = vector.shape_cast %swap3A_166 : vector<1x16xf32> to vector<16xf32>
        %swap3A_168 = vector.shape_cast %mul3A_163 : vector<16xf32> to vector<1x16xf32>
        tpu.vector_store %arg13[%swap3A_164, %swap3A_165], %swap3A_168 {strides = array<i32>} : memref<80x128xf32, #tpu.memory_space<vmem>>, vector<1x16xf32>,
        %get3A_169 = arith.index_cast %scan3A_69 : i32 to index
        %get3A_170 = arith.constant 112 : index
        %get3A_171 = tpu.vector_load %arg10[%get3A_169, %get3A_170] {strides = array<i32>} : memref<80x128xf32, #tpu.memory_space<vmem>>, vector<1x16xf32>,
        %get3A_172 = vector.shape_cast %get3A_171 : vector<1x16xf32> to vector<16xf32>
        %slice3A_173 = vector.extract_strided_slice %exp3A {offsets = [7], sizes = [1], strides = [1]} : vector<16xf32> to vector<1xf32>
        %squeeze3A_174 = vector.extract %slice3A_173[0] : f32 from vector<1xf32>
        %mul3A_175 = vector.broadcast %squeeze3A_174 : f32 to vector<16xf32>
        %mul3A_176 = arith.mulf %get3A_172, %mul3A_175 : vector<16xf32>
        %swap3A_177 = arith.index_cast %scan3A_69 : i32 to index
        %swap3A_178 = arith.constant 112 : index
        %swap3A_179 = tpu.vector_load %arg13[%swap3A_177, %swap3A_178] {strides = array<i32>} : memref<80x128xf32, #tpu.memory_space<vmem>>, vector<1x16xf32>,
        %swap3A_180 = vector.shape_cast %swap3A_179 : vector<1x16xf32> to vector<16xf32>
        %swap3A_181 = vector.shape_cast %mul3A_176 : vector<16xf32> to vector<1x16xf32>
        tpu.vector_store %arg13[%swap3A_177, %swap3A_178], %swap3A_181 {strides = array<i32>} : memref<80x128xf32, #tpu.memory_space<vmem>>, vector<1x16xf32>,
      }
      %scan3A_68 = arith.constant 80 : i32
      "tpu.region"() ({
        %run_scoped3A = tpu.sem_alloc : memref<!tpu.dma_semaphore, #tpu.memory_space<semaphore_mem>>
        %dma_start3A_69 = arith.constant 0 : i32
        %dma_start3A_70 = arith.constant 0 : i32
        %dma_start3A_71 = tpu.memref_slice %arg14[%dma_start3A_69, %dma_start3A_70] : memref<5120x128xf32, #tpu.memory_space<vmem_shared>> -> memref<5120x128xf32, #tpu.memory_space<vmem_shared>>
        tpu.enqueue_indirect_dma source(%arg13 : memref<80x128xf32, #tpu.memory_space<vmem>>) target(%dma_start3A_71 : memref<5120x128xf32, #tpu.memory_space<vmem_shared>>) offsets(%arg9 : memref<80xi32, #tpu.memory_space<vmem>>) semaphore(%run_scoped3A : memref<!tpu.dma_semaphore, #tpu.memory_space<semaphore_mem>>) {add = true}
        %dma_wait3A_72 = arith.constant 0 : i32
        %dma_wait3A_73 = arith.constant 0 : i32
        %dma_wait3A_74 = tpu.memref_slice %arg14[%dma_wait3A_72, %dma_wait3A_73] : memref<5120x128xf32, #tpu.memory_space<vmem_shared>> -> memref<5120x128xf32, #tpu.memory_space<vmem_shared>>
        tpu.wait_indirect_dma semaphore(%run_scoped3A : memref<!tpu.dma_semaphore, #tpu.memory_space<semaphore_mem>>) src(%arg13 : memref<80x128xf32, #tpu.memory_space<vmem>>) dst(%dma_wait3A_74 : memref<5120x128xf32, #tpu.memory_space<vmem_shared>>)
        tpu.yield
      }) : () -> ()
    }
    %scan3A_20 = arith.constant 250 : i32
    %barrier3A_21 = arith.constant 0 : index
    tpu.barrier barrier_id(%barrier3A_21)
    %mul3A_22 = arith.constant 320 : i32
    %mul3A_23 = arith.muli %arg1, %mul3A_22 : i32
    %add3A_24 = arith.constant 0 : i32
    %add3A_25 = arith.addi %mul3A_23, %add3A_24 : i32
    "tpu.region"() ({
      %run_scoped3A = tpu.sem_alloc : memref<!tpu.dma_semaphore, #tpu.memory_space<semaphore_mem>>
      %dma_start3A = arith.constant 0 : i32
      %dma_start3A_40 = tpu.memref_slice %arg14[%add3A_25, %dma_start3A] : memref<5120x128xf32, #tpu.memory_space<vmem_shared>> -> memref<80x128xf32, #tpu.memory_space<vmem_shared>>
      %dma_start3A_41 = arith.constant 0 : i32
      %dma_start3A_42 = tpu.memref_slice %arg14[%add3A_25, %dma_start3A_41] : memref<5120x128xf32, #tpu.memory_space<vmem_shared>> -> memref<80x128xf32, #tpu.memory_space<vmem_shared>>
      tpu.enqueue_dma source(%dma_start3A_42 : memref<80x128xf32, #tpu.memory_space<vmem_shared>>) target(%arg13 : memref<80x128xf32, #tpu.memory_space<vmem>>) target_semaphore(%run_scoped3A : memref<!tpu.dma_semaphore, #tpu.memory_space<semaphore_mem>>)
      %dma_wait3A = arith.constant 0 : i32
      %dma_wait3A_43 = tpu.memref_slice %arg14[%add3A_25, %dma_wait3A] : memref<5120x128xf32, #tpu.memory_space<vmem_shared>> -> memref<80x128xf32, #tpu.memory_space<vmem_shared>>
      %dma_wait3A_44 = arith.constant 0 : i32
      %dma_wait3A_45 = tpu.memref_slice %arg14[%add3A_25, %dma_wait3A_44] : memref<5120x128xf32, #tpu.memory_space<vmem_shared>> -> memref<80x128xf32, #tpu.memory_space<vmem_shared>>
      tpu.wait_dma2 semaphore(%run_scoped3A : memref<!tpu.dma_semaphore, #tpu.memory_space<semaphore_mem>>) src(%dma_wait3A_45 : memref<80x128xf32, #tpu.memory_space<vmem_shared>>) dst(%arg13 : memref<80x128xf32, #tpu.memory_space<vmem>>)
      tpu.yield
    }) : () -> ()
    %add3A_26 = arith.constant 0 : i32
    %add3A_27 = arith.addi %mul3A_23, %add3A_26 : i32
    "tpu.region"() ({
      %run_scoped3A = tpu.sem_alloc : memref<!tpu.dma_semaphore, #tpu.memory_space<semaphore_mem>>
      %dma_start3A = arith.constant 0 : i32
      %dma_start3A_40 = tpu.memref_slice %arg4[%arg0, %add3A_27, %dma_start3A] : memref<2x5120x128xf32, #tpu.memory_space<hbm>> -> memref<1x80x128xf32, #tpu.memory_space<hbm>>
      %dma_start3A_41 = tpu.memref_squeeze %dma_start3A_40 : memref<1x80x128xf32, #tpu.memory_space<hbm>> -> memref<80x128xf32, #tpu.memory_space<hbm>>
      %dma_start3A_42 = arith.constant 0 : i32
      %dma_start3A_43 = tpu.memref_slice %arg4[%arg0, %add3A_27, %dma_start3A_42] : memref<2x5120x128xf32, #tpu.memory_space<hbm>> -> memref<1x80x128xf32, #tpu.memory_space<hbm>>
      %dma_start3A_44 = tpu.memref_squeeze %dma_start3A_43 : memref<1x80x128xf32, #tpu.memory_space<hbm>> -> memref<80x128xf32, #tpu.memory_space<hbm>>
      tpu.enqueue_dma source(%arg13 : memref<80x128xf32, #tpu.memory_space<vmem>>) target(%dma_start3A_44 : memref<80x128xf32, #tpu.memory_space<hbm>>) target_semaphore(%run_scoped3A : memref<!tpu.dma_semaphore, #tpu.memory_space<semaphore_mem>>)
      %dma_wait3A = arith.constant 0 : i32
      %dma_wait3A_45 = tpu.memref_slice %arg4[%arg0, %add3A_27, %dma_wait3A] : memref<2x5120x128xf32, #tpu.memory_space<hbm>> -> memref<1x80x128xf32, #tpu.memory_space<hbm>>
      %dma_wait3A_46 = tpu.memref_squeeze %dma_wait3A_45 : memref<1x80x128xf32, #tpu.memory_space<hbm>> -> memref<80x128xf32, #tpu.memory_space<hbm>>
      %dma_wait3A_47 = arith.constant 0 : i32
      %dma_wait3A_48 = tpu.memref_slice %arg4[%arg0, %add3A_27, %dma_wait3A_47] : memref<2x5120x128xf32, #tpu.memory_space<hbm>> -> memref<1x80x128xf32, #tpu.memory_space<hbm>>
      %dma_wait3A_49 = tpu.memref_squeeze %dma_wait3A_48 : memref<1x80x128xf32, #tpu.memory_space<hbm>> -> memref<80x128xf32, #tpu.memory_space<hbm>>
      tpu.wait_dma2 semaphore(%run_scoped3A : memref<!tpu.dma_semaphore, #tpu.memory_space<semaphore_mem>>) src(%arg13 : memref<80x128xf32, #tpu.memory_space<vmem>>) dst(%dma_wait3A_49 : memref<80x128xf32, #tpu.memory_space<hbm>>)
      tpu.yield
    }) : () -> ()
    %add3A_28 = arith.constant 80 : i32
    %add3A_29 = arith.addi %mul3A_23, %add3A_28 : i32
    "tpu.region"() ({
      %run_scoped3A = tpu.sem_alloc : memref<!tpu.dma_semaphore, #tpu.memory_space<semaphore_mem>>
      %dma_start3A = arith.constant 0 : i32
      %dma_start3A_40 = tpu.memref_slice %arg14[%add3A_29, %dma_start3A] : memref<5120x128xf32, #tpu.memory_space<vmem_shared>> -> memref<80x128xf32, #tpu.memory_space<vmem_shared>>
      %dma_start3A_41 = arith.constant 0 : i32
      %dma_start3A_42 = tpu.memref_slice %arg14[%add3A_29, %dma_start3A_41] : memref<5120x128xf32, #tpu.memory_space<vmem_shared>> -> memref<80x128xf32, #tpu.memory_space<vmem_shared>>
      tpu.enqueue_dma source(%dma_start3A_42 : memref<80x128xf32, #tpu.memory_space<vmem_shared>>) target(%arg13 : memref<80x128xf32, #tpu.memory_space<vmem>>) target_semaphore(%run_scoped3A : memref<!tpu.dma_semaphore, #tpu.memory_space<semaphore_mem>>)
      %dma_wait3A = arith.constant 0 : i32
      %dma_wait3A_43 = tpu.memref_slice %arg14[%add3A_29, %dma_wait3A] : memref<5120x128xf32, #tpu.memory_space<vmem_shared>> -> memref<80x128xf32, #tpu.memory_space<vmem_shared>>
      %dma_wait3A_44 = arith.constant 0 : i32
      %dma_wait3A_45 = tpu.memref_slice %arg14[%add3A_29, %dma_wait3A_44] : memref<5120x128xf32, #tpu.memory_space<vmem_shared>> -> memref<80x128xf32, #tpu.memory_space<vmem_shared>>
      tpu.wait_dma2 semaphore(%run_scoped3A : memref<!tpu.dma_semaphore, #tpu.memory_space<semaphore_mem>>) src(%dma_wait3A_45 : memref<80x128xf32, #tpu.memory_space<vmem_shared>>) dst(%arg13 : memref<80x128xf32, #tpu.memory_space<vmem>>)
      tpu.yield
    }) : () -> ()
    %add3A_30 = arith.constant 80 : i32
    %add3A_31 = arith.addi %mul3A_23, %add3A_30 : i32
    "tpu.region"() ({
      %run_scoped3A = tpu.sem_alloc : memref<!tpu.dma_semaphore, #tpu.memory_space<semaphore_mem>>
      %dma_start3A = arith.constant 0 : i32
      %dma_start3A_40 = tpu.memref_slice %arg4[%arg0, %add3A_31, %dma_start3A] : memref<2x5120x128xf32, #tpu.memory_space<hbm>> -> memref<1x80x128xf32, #tpu.memory_space<hbm>>
      %dma_start3A_41 = tpu.memref_squeeze %dma_start3A_40 : memref<1x80x128xf32, #tpu.memory_space<hbm>> -> memref<80x128xf32, #tpu.memory_space<hbm>>
      %dma_start3A_42 = arith.constant 0 : i32
      %dma_start3A_43 = tpu.memref_slice %arg4[%arg0, %add3A_31, %dma_start3A_42] : memref<2x5120x128xf32, #tpu.memory_space<hbm>> -> memref<1x80x128xf32, #tpu.memory_space<hbm>>
      %dma_start3A_44 = tpu.memref_squeeze %dma_start3A_43 : memref<1x80x128xf32, #tpu.memory_space<hbm>> -> memref<80x128xf32, #tpu.memory_space<hbm>>
      tpu.enqueue_dma source(%arg13 : memref<80x128xf32, #tpu.memory_space<vmem>>) target(%dma_start3A_44 : memref<80x128xf32, #tpu.memory_space<hbm>>) target_semaphore(%run_scoped3A : memref<!tpu.dma_semaphore, #tpu.memory_space<semaphore_mem>>)
      %dma_wait3A = arith.constant 0 : i32
      %dma_wait3A_45 = tpu.memref_slice %arg4[%arg0, %add3A_31, %dma_wait3A] : memref<2x5120x128xf32, #tpu.memory_space<hbm>> -> memref<1x80x128xf32, #tpu.memory_space<hbm>>
      %dma_wait3A_46 = tpu.memref_squeeze %dma_wait3A_45 : memref<1x80x128xf32, #tpu.memory_space<hbm>> -> memref<80x128xf32, #tpu.memory_space<hbm>>
      %dma_wait3A_47 = arith.constant 0 : i32
      %dma_wait3A_48 = tpu.memref_slice %arg4[%arg0, %add3A_31, %dma_wait3A_47] : memref<2x5120x128xf32, #tpu.memory_space<hbm>> -> memref<1x80x128xf32, #tpu.memory_space<hbm>>
      %dma_wait3A_49 = tpu.memref_squeeze %dma_wait3A_48 : memref<1x80x128xf32, #tpu.memory_space<hbm>> -> memref<80x128xf32, #tpu.memory_space<hbm>>
      tpu.wait_dma2 semaphore(%run_scoped3A : memref<!tpu.dma_semaphore, #tpu.memory_space<semaphore_mem>>) src(%arg13 : memref<80x128xf32, #tpu.memory_space<vmem>>) dst(%dma_wait3A_49 : memref<80x128xf32, #tpu.memory_space<hbm>>)
      tpu.yield
    }) : () -> ()
    %add3A_32 = arith.constant 160 : i32
    %add3A_33 = arith.addi %mul3A_23, %add3A_32 : i32
    "tpu.region"() ({
      %run_scoped3A = tpu.sem_alloc : memref<!tpu.dma_semaphore, #tpu.memory_space<semaphore_mem>>
      %dma_start3A = arith.constant 0 : i32
      %dma_start3A_40 = tpu.memref_slice %arg14[%add3A_33, %dma_start3A] : memref<5120x128xf32, #tpu.memory_space<vmem_shared>> -> memref<80x128xf32, #tpu.memory_space<vmem_shared>>
      %dma_start3A_41 = arith.constant 0 : i32
      %dma_start3A_42 = tpu.memref_slice %arg14[%add3A_33, %dma_start3A_41] : memref<5120x128xf32, #tpu.memory_space<vmem_shared>> -> memref<80x128xf32, #tpu.memory_space<vmem_shared>>
      tpu.enqueue_dma source(%dma_start3A_42 : memref<80x128xf32, #tpu.memory_space<vmem_shared>>) target(%arg13 : memref<80x128xf32, #tpu.memory_space<vmem>>) target_semaphore(%run_scoped3A : memref<!tpu.dma_semaphore, #tpu.memory_space<semaphore_mem>>)
      %dma_wait3A = arith.constant 0 : i32
      %dma_wait3A_43 = tpu.memref_slice %arg14[%add3A_33, %dma_wait3A] : memref<5120x128xf32, #tpu.memory_space<vmem_shared>> -> memref<80x128xf32, #tpu.memory_space<vmem_shared>>
      %dma_wait3A_44 = arith.constant 0 : i32
      %dma_wait3A_45 = tpu.memref_slice %arg14[%add3A_33, %dma_wait3A_44] : memref<5120x128xf32, #tpu.memory_space<vmem_shared>> -> memref<80x128xf32, #tpu.memory_space<vmem_shared>>
      tpu.wait_dma2 semaphore(%run_scoped3A : memref<!tpu.dma_semaphore, #tpu.memory_space<semaphore_mem>>) src(%dma_wait3A_45 : memref<80x128xf32, #tpu.memory_space<vmem_shared>>) dst(%arg13 : memref<80x128xf32, #tpu.memory_space<vmem>>)
      tpu.yield
    }) : () -> ()
    %add3A_34 = arith.constant 160 : i32
    %add3A_35 = arith.addi %mul3A_23, %add3A_34 : i32
    "tpu.region"() ({
      %run_scoped3A = tpu.sem_alloc : memref<!tpu.dma_semaphore, #tpu.memory_space<semaphore_mem>>
      %dma_start3A = arith.constant 0 : i32
      %dma_start3A_40 = tpu.memref_slice %arg4[%arg0, %add3A_35, %dma_start3A] : memref<2x5120x128xf32, #tpu.memory_space<hbm>> -> memref<1x80x128xf32, #tpu.memory_space<hbm>>
      %dma_start3A_41 = tpu.memref_squeeze %dma_start3A_40 : memref<1x80x128xf32, #tpu.memory_space<hbm>> -> memref<80x128xf32, #tpu.memory_space<hbm>>
      %dma_start3A_42 = arith.constant 0 : i32
      %dma_start3A_43 = tpu.memref_slice %arg4[%arg0, %add3A_35, %dma_start3A_42] : memref<2x5120x128xf32, #tpu.memory_space<hbm>> -> memref<1x80x128xf32, #tpu.memory_space<hbm>>
      %dma_start3A_44 = tpu.memref_squeeze %dma_start3A_43 : memref<1x80x128xf32, #tpu.memory_space<hbm>> -> memref<80x128xf32, #tpu.memory_space<hbm>>
      tpu.enqueue_dma source(%arg13 : memref<80x128xf32, #tpu.memory_space<vmem>>) target(%dma_start3A_44 : memref<80x128xf32, #tpu.memory_space<hbm>>) target_semaphore(%run_scoped3A : memref<!tpu.dma_semaphore, #tpu.memory_space<semaphore_mem>>)
      %dma_wait3A = arith.constant 0 : i32
      %dma_wait3A_45 = tpu.memref_slice %arg4[%arg0, %add3A_35, %dma_wait3A] : memref<2x5120x128xf32, #tpu.memory_space<hbm>> -> memref<1x80x128xf32, #tpu.memory_space<hbm>>
      %dma_wait3A_46 = tpu.memref_squeeze %dma_wait3A_45 : memref<1x80x128xf32, #tpu.memory_space<hbm>> -> memref<80x128xf32, #tpu.memory_space<hbm>>
      %dma_wait3A_47 = arith.constant 0 : i32
      %dma_wait3A_48 = tpu.memref_slice %arg4[%arg0, %add3A_35, %dma_wait3A_47] : memref<2x5120x128xf32, #tpu.memory_space<hbm>> -> memref<1x80x128xf32, #tpu.memory_space<hbm>>
      %dma_wait3A_49 = tpu.memref_squeeze %dma_wait3A_48 : memref<1x80x128xf32, #tpu.memory_space<hbm>> -> memref<80x128xf32, #tpu.memory_space<hbm>>
      tpu.wait_dma2 semaphore(%run_scoped3A : memref<!tpu.dma_semaphore, #tpu.memory_space<semaphore_mem>>) src(%arg13 : memref<80x128xf32, #tpu.memory_space<vmem>>) dst(%dma_wait3A_49 : memref<80x128xf32, #tpu.memory_space<hbm>>)
      tpu.yield
    }) : () -> ()
    %add3A_36 = arith.constant 240 : i32
    %add3A_37 = arith.addi %mul3A_23, %add3A_36 : i32
    "tpu.region"() ({
      %run_scoped3A = tpu.sem_alloc : memref<!tpu.dma_semaphore, #tpu.memory_space<semaphore_mem>>
      %dma_start3A = arith.constant 0 : i32
      %dma_start3A_40 = tpu.memref_slice %arg14[%add3A_37, %dma_start3A] : memref<5120x128xf32, #tpu.memory_space<vmem_shared>> -> memref<80x128xf32, #tpu.memory_space<vmem_shared>>
      %dma_start3A_41 = arith.constant 0 : i32
      %dma_start3A_42 = tpu.memref_slice %arg14[%add3A_37, %dma_start3A_41] : memref<5120x128xf32, #tpu.memory_space<vmem_shared>> -> memref<80x128xf32, #tpu.memory_space<vmem_shared>>
      tpu.enqueue_dma source(%dma_start3A_42 : memref<80x128xf32, #tpu.memory_space<vmem_shared>>) target(%arg13 : memref<80x128xf32, #tpu.memory_space<vmem>>) target_semaphore(%run_scoped3A : memref<!tpu.dma_semaphore, #tpu.memory_space<semaphore_mem>>)
      %dma_wait3A = arith.constant 0 : i32
      %dma_wait3A_43 = tpu.memref_slice %arg14[%add3A_37, %dma_wait3A] : memref<5120x128xf32, #tpu.memory_space<vmem_shared>> -> memref<80x128xf32, #tpu.memory_space<vmem_shared>>
      %dma_wait3A_44 = arith.constant 0 : i32
      %dma_wait3A_45 = tpu.memref_slice %arg14[%add3A_37, %dma_wait3A_44] : memref<5120x128xf32, #tpu.memory_space<vmem_shared>> -> memref<80x128xf32, #tpu.memory_space<vmem_shared>>
      tpu.wait_dma2 semaphore(%run_scoped3A : memref<!tpu.dma_semaphore, #tpu.memory_space<semaphore_mem>>) src(%dma_wait3A_45 : memref<80x128xf32, #tpu.memory_space<vmem_shared>>) dst(%arg13 : memref<80x128xf32, #tpu.memory_space<vmem>>)
      tpu.yield
    }) : () -> ()
    %add3A_38 = arith.constant 240 : i32
    %add3A_39 = arith.addi %mul3A_23, %add3A_38 : i32
    "tpu.region"() ({
      %run_scoped3A = tpu.sem_alloc : memref<!tpu.dma_semaphore, #tpu.memory_space<semaphore_mem>>
      %dma_start3A = arith.constant 0 : i32
      %dma_start3A_40 = tpu.memref_slice %arg4[%arg0, %add3A_39, %dma_start3A] : memref<2x5120x128xf32, #tpu.memory_space<hbm>> -> memref<1x80x128xf32, #tpu.memory_space<hbm>>
      %dma_start3A_41 = tpu.memref_squeeze %dma_start3A_40 : memref<1x80x128xf32, #tpu.memory_space<hbm>> -> memref<80x128xf32, #tpu.memory_space<hbm>>
      %dma_start3A_42 = arith.constant 0 : i32
      %dma_start3A_43 = tpu.memref_slice %arg4[%arg0, %add3A_39, %dma_start3A_42] : memref<2x5120x128xf32, #tpu.memory_space<hbm>> -> memref<1x80x128xf32, #tpu.memory_space<hbm>>
      %dma_start3A_44 = tpu.memref_squeeze %dma_start3A_43 : memref<1x80x128xf32, #tpu.memory_space<hbm>> -> memref<80x128xf32, #tpu.memory_space<hbm>>
      tpu.enqueue_dma source(%arg13 : memref<80x128xf32, #tpu.memory_space<vmem>>) target(%dma_start3A_44 : memref<80x128xf32, #tpu.memory_space<hbm>>) target_semaphore(%run_scoped3A : memref<!tpu.dma_semaphore, #tpu.memory_space<semaphore_mem>>)
      %dma_wait3A = arith.constant 0 : i32
      %dma_wait3A_45 = tpu.memref_slice %arg4[%arg0, %add3A_39, %dma_wait3A] : memref<2x5120x128xf32, #tpu.memory_space<hbm>> -> memref<1x80x128xf32, #tpu.memory_space<hbm>>
      %dma_wait3A_46 = tpu.memref_squeeze %dma_wait3A_45 : memref<1x80x128xf32, #tpu.memory_space<hbm>> -> memref<80x128xf32, #tpu.memory_space<hbm>>
      %dma_wait3A_47 = arith.constant 0 : i32
      %dma_wait3A_48 = tpu.memref_slice %arg4[%arg0, %add3A_39, %dma_wait3A_47] : memref<2x5120x128xf32, #tpu.memory_space<hbm>> -> memref<1x80x128xf32, #tpu.memory_space<hbm>>
      %dma_wait3A_49 = tpu.memref_squeeze %dma_wait3A_48 : memref<1x80x128xf32, #tpu.memory_space<hbm>> -> memref<80x128xf32, #tpu.memory_space<hbm>>
      tpu.wait_dma2 semaphore(%run_scoped3A : memref<!tpu.dma_semaphore, #tpu.memory_space<semaphore_mem>>) src(%arg13 : memref<80x128xf32, #tpu.memory_space<vmem>>) dst(%dma_wait3A_49 : memref<80x128xf32, #tpu.memory_space<hbm>>)
      tpu.yield
    }) : () -> ()
    return
  }
}

#map = affine_map<(d0, d1) -> (0, 0)>
#map1 = affine_map<(d0, d1) -> (0)>
#map2 = affine_map<(d0, d1) -> (0, 0, 0)>
module attributes {stable_mosaic.version = 14 : i64} {
  func.func @_sc_den_body(%arg0: i32, %arg1: i32, %arg2: memref<20000x128xf32, #tpu.memory_space<hbm>>, %arg3: memref<320000xi32, #tpu.memory_space<hbm>>, %arg4: memref<2x5120x128xf32, #tpu.memory_space<hbm>>, %arg5: memref<20000xi32, #tpu.memory_space<vmem>>, %arg6: memref<80xi32, #tpu.memory_space<vmem>>, %arg7: memref<80xi32, #tpu.memory_space<vmem>>, %arg8: memref<80xi32, #tpu.memory_space<vmem>>, %arg9: memref<80x128xf32, #tpu.memory_space<vmem>>, %arg10: memref<80x128xf32, #tpu.memory_space<vmem>>, %arg11: memref<80x128xf32, #tpu.memory_space<vmem>>, %arg12: memref<5120x128xf32, #tpu.memory_space<vmem_shared>>, %arg13: memref<!tpu.dma_semaphore, #tpu.memory_space<semaphore_mem>>) attributes {dimension_semantics = [#tpu.dimension_semantics<core_parallel>, #tpu.dimension_semantics<subcore_parallel>], iteration_bounds = array<i64: 2, 16>, scalar_prefetch = 0 : i64, scratch_operands = 9 : i64, tpu.core_type = #tpu.core_type<sc_vector_subcore>, window_params = [{transform_indices = #map}, {transform_indices = #map1}, {transform_indices = #map2}]} {
    %mul3A = arith.constant 5000 : i32
    %mul3A_0 = arith.muli %arg0, %mul3A : i32
    %mul3A_1 = arith.constant 20000 : i32
    %mul3A_2 = arith.muli %arg1, %mul3A_1 : i32
    "tpu.region"() ({
      %run_scoped3A = tpu.sem_alloc : memref<!tpu.dma_semaphore, #tpu.memory_space<semaphore_mem>>
      %dma_start3A = tpu.memref_slice %arg3[%mul3A_2] : memref<320000xi32, #tpu.memory_space<hbm>> -> memref<20000xi32, #tpu.memory_space<hbm>>
      %dma_start3A_40 = tpu.memref_slice %arg3[%mul3A_2] : memref<320000xi32, #tpu.memory_space<hbm>> -> memref<20000xi32, #tpu.memory_space<hbm>>
      tpu.enqueue_dma source(%dma_start3A_40 : memref<20000xi32, #tpu.memory_space<hbm>>) target(%arg5 : memref<20000xi32, #tpu.memory_space<vmem>>) target_semaphore(%run_scoped3A : memref<!tpu.dma_semaphore, #tpu.memory_space<semaphore_mem>>)
      %dma_wait3A = tpu.memref_slice %arg3[%mul3A_2] : memref<320000xi32, #tpu.memory_space<hbm>> -> memref<20000xi32, #tpu.memory_space<hbm>>
      %dma_wait3A_41 = tpu.memref_slice %arg3[%mul3A_2] : memref<320000xi32, #tpu.memory_space<hbm>> -> memref<20000xi32, #tpu.memory_space<hbm>>
      tpu.wait_dma2 semaphore(%run_scoped3A : memref<!tpu.dma_semaphore, #tpu.memory_space<semaphore_mem>>) src(%dma_wait3A_41 : memref<20000xi32, #tpu.memory_space<hbm>>) dst(%arg5 : memref<20000xi32, #tpu.memory_space<vmem>>)
      tpu.yield
    }) : () -> ()
    %scan3A = arith.constant 0 : i32
    %scan3A_3 = arith.constant 80 : i32
    %scan3A_4 = arith.addi %scan3A, %scan3A_3 : i32
    %scan3A_5 = arith.constant 1 : i32
    scf.for %scan3A_40 = %scan3A to %scan3A_4 step %scan3A_5  : i32 {
      %broadcast_in_dim3A = arith.constant 0.000000e+00 : f32
      %broadcast_in_dim3A_41 = vector.broadcast %broadcast_in_dim3A : f32 to vector<16xf32>
      %swap3A = arith.index_cast %scan3A_40 : i32 to index
      %swap3A_42 = arith.constant 0 : index
      %swap3A_43 = tpu.vector_load %arg11[%swap3A, %swap3A_42] {strides = array<i32>} : memref<80x128xf32, #tpu.memory_space<vmem>>, vector<1x16xf32>,
      %swap3A_44 = vector.shape_cast %swap3A_43 : vector<1x16xf32> to vector<16xf32>
      %swap3A_45 = vector.shape_cast %broadcast_in_dim3A_41 : vector<16xf32> to vector<1x16xf32>
      tpu.vector_store %arg11[%swap3A, %swap3A_42], %swap3A_45 {strides = array<i32>} : memref<80x128xf32, #tpu.memory_space<vmem>>, vector<1x16xf32>,
      %broadcast_in_dim3A_46 = arith.constant 0.000000e+00 : f32
      %broadcast_in_dim3A_47 = vector.broadcast %broadcast_in_dim3A_46 : f32 to vector<16xf32>
      %swap3A_48 = arith.index_cast %scan3A_40 : i32 to index
      %swap3A_49 = arith.constant 16 : index
      %swap3A_50 = tpu.vector_load %arg11[%swap3A_48, %swap3A_49] {strides = array<i32>} : memref<80x128xf32, #tpu.memory_space<vmem>>, vector<1x16xf32>,
      %swap3A_51 = vector.shape_cast %swap3A_50 : vector<1x16xf32> to vector<16xf32>
      %swap3A_52 = vector.shape_cast %broadcast_in_dim3A_47 : vector<16xf32> to vector<1x16xf32>
      tpu.vector_store %arg11[%swap3A_48, %swap3A_49], %swap3A_52 {strides = array<i32>} : memref<80x128xf32, #tpu.memory_space<vmem>>, vector<1x16xf32>,
      %broadcast_in_dim3A_53 = arith.constant 0.000000e+00 : f32
      %broadcast_in_dim3A_54 = vector.broadcast %broadcast_in_dim3A_53 : f32 to vector<16xf32>
      %swap3A_55 = arith.index_cast %scan3A_40 : i32 to index
      %swap3A_56 = arith.constant 32 : index
      %swap3A_57 = tpu.vector_load %arg11[%swap3A_55, %swap3A_56] {strides = array<i32>} : memref<80x128xf32, #tpu.memory_space<vmem>>, vector<1x16xf32>,
      %swap3A_58 = vector.shape_cast %swap3A_57 : vector<1x16xf32> to vector<16xf32>
      %swap3A_59 = vector.shape_cast %broadcast_in_dim3A_54 : vector<16xf32> to vector<1x16xf32>
      tpu.vector_store %arg11[%swap3A_55, %swap3A_56], %swap3A_59 {strides = array<i32>} : memref<80x128xf32, #tpu.memory_space<vmem>>, vector<1x16xf32>,
      %broadcast_in_dim3A_60 = arith.constant 0.000000e+00 : f32
      %broadcast_in_dim3A_61 = vector.broadcast %broadcast_in_dim3A_60 : f32 to vector<16xf32>
      %swap3A_62 = arith.index_cast %scan3A_40 : i32 to index
      %swap3A_63 = arith.constant 48 : index
      %swap3A_64 = tpu.vector_load %arg11[%swap3A_62, %swap3A_63] {strides = array<i32>} : memref<80x128xf32, #tpu.memory_space<vmem>>, vector<1x16xf32>,
      %swap3A_65 = vector.shape_cast %swap3A_64 : vector<1x16xf32> to vector<16xf32>
      %swap3A_66 = vector.shape_cast %broadcast_in_dim3A_61 : vector<16xf32> to vector<1x16xf32>
      tpu.vector_store %arg11[%swap3A_62, %swap3A_63], %swap3A_66 {strides = array<i32>} : memref<80x128xf32, #tpu.memory_space<vmem>>, vector<1x16xf32>,
      %broadcast_in_dim3A_67 = arith.constant 0.000000e+00 : f32
      %broadcast_in_dim3A_68 = vector.broadcast %broadcast_in_dim3A_67 : f32 to vector<16xf32>
      %swap3A_69 = arith.index_cast %scan3A_40 : i32 to index
      %swap3A_70 = arith.constant 64 : index
      %swap3A_71 = tpu.vector_load %arg11[%swap3A_69, %swap3A_70] {strides = array<i32>} : memref<80x128xf32, #tpu.memory_space<vmem>>, vector<1x16xf32>,
      %swap3A_72 = vector.shape_cast %swap3A_71 : vector<1x16xf32> to vector<16xf32>
      %swap3A_73 = vector.shape_cast %broadcast_in_dim3A_68 : vector<16xf32> to vector<1x16xf32>
      tpu.vector_store %arg11[%swap3A_69, %swap3A_70], %swap3A_73 {strides = array<i32>} : memref<80x128xf32, #tpu.memory_space<vmem>>, vector<1x16xf32>,
      %broadcast_in_dim3A_74 = arith.constant 0.000000e+00 : f32
      %broadcast_in_dim3A_75 = vector.broadcast %broadcast_in_dim3A_74 : f32 to vector<16xf32>
      %swap3A_76 = arith.index_cast %scan3A_40 : i32 to index
      %swap3A_77 = arith.constant 80 : index
      %swap3A_78 = tpu.vector_load %arg11[%swap3A_76, %swap3A_77] {strides = array<i32>} : memref<80x128xf32, #tpu.memory_space<vmem>>, vector<1x16xf32>,
      %swap3A_79 = vector.shape_cast %swap3A_78 : vector<1x16xf32> to vector<16xf32>
      %swap3A_80 = vector.shape_cast %broadcast_in_dim3A_75 : vector<16xf32> to vector<1x16xf32>
      tpu.vector_store %arg11[%swap3A_76, %swap3A_77], %swap3A_80 {strides = array<i32>} : memref<80x128xf32, #tpu.memory_space<vmem>>, vector<1x16xf32>,
      %broadcast_in_dim3A_81 = arith.constant 0.000000e+00 : f32
      %broadcast_in_dim3A_82 = vector.broadcast %broadcast_in_dim3A_81 : f32 to vector<16xf32>
      %swap3A_83 = arith.index_cast %scan3A_40 : i32 to index
      %swap3A_84 = arith.constant 96 : index
      %swap3A_85 = tpu.vector_load %arg11[%swap3A_83, %swap3A_84] {strides = array<i32>} : memref<80x128xf32, #tpu.memory_space<vmem>>, vector<1x16xf32>,
      %swap3A_86 = vector.shape_cast %swap3A_85 : vector<1x16xf32> to vector<16xf32>
      %swap3A_87 = vector.shape_cast %broadcast_in_dim3A_82 : vector<16xf32> to vector<1x16xf32>
      tpu.vector_store %arg11[%swap3A_83, %swap3A_84], %swap3A_87 {strides = array<i32>} : memref<80x128xf32, #tpu.memory_space<vmem>>, vector<1x16xf32>,
      %broadcast_in_dim3A_88 = arith.constant 0.000000e+00 : f32
      %broadcast_in_dim3A_89 = vector.broadcast %broadcast_in_dim3A_88 : f32 to vector<16xf32>
      %swap3A_90 = arith.index_cast %scan3A_40 : i32 to index
      %swap3A_91 = arith.constant 112 : index
      %swap3A_92 = tpu.vector_load %arg11[%swap3A_90, %swap3A_91] {strides = array<i32>} : memref<80x128xf32, #tpu.memory_space<vmem>>, vector<1x16xf32>,
      %swap3A_93 = vector.shape_cast %swap3A_92 : vector<1x16xf32> to vector<16xf32>
      %swap3A_94 = vector.shape_cast %broadcast_in_dim3A_89 : vector<16xf32> to vector<1x16xf32>
      tpu.vector_store %arg11[%swap3A_90, %swap3A_91], %swap3A_94 {strides = array<i32>} : memref<80x128xf32, #tpu.memory_space<vmem>>, vector<1x16xf32>,
    }
    %scan3A_6 = arith.constant 80 : i32
    %mul3A_7 = arith.constant 320 : i32
    %mul3A_8 = arith.muli %arg1, %mul3A_7 : i32
    %add3A = arith.constant 0 : i32
    %add3A_9 = arith.addi %mul3A_8, %add3A : i32
    "tpu.region"() ({
      %run_scoped3A = tpu.sem_alloc : memref<!tpu.dma_semaphore, #tpu.memory_space<semaphore_mem>>
      %dma_start3A = arith.constant 0 : i32
      %dma_start3A_40 = tpu.memref_slice %arg12[%add3A_9, %dma_start3A] : memref<5120x128xf32, #tpu.memory_space<vmem_shared>> -> memref<80x128xf32, #tpu.memory_space<vmem_shared>>
      %dma_start3A_41 = arith.constant 0 : i32
      %dma_start3A_42 = tpu.memref_slice %arg12[%add3A_9, %dma_start3A_41] : memref<5120x128xf32, #tpu.memory_space<vmem_shared>> -> memref<80x128xf32, #tpu.memory_space<vmem_shared>>
      tpu.enqueue_dma source(%arg11 : memref<80x128xf32, #tpu.memory_space<vmem>>) target(%dma_start3A_42 : memref<80x128xf32, #tpu.memory_space<vmem_shared>>) target_semaphore(%run_scoped3A : memref<!tpu.dma_semaphore, #tpu.memory_space<semaphore_mem>>)
      %dma_wait3A = arith.constant 0 : i32
      %dma_wait3A_43 = tpu.memref_slice %arg12[%add3A_9, %dma_wait3A] : memref<5120x128xf32, #tpu.memory_space<vmem_shared>> -> memref<80x128xf32, #tpu.memory_space<vmem_shared>>
      %dma_wait3A_44 = arith.constant 0 : i32
      %dma_wait3A_45 = tpu.memref_slice %arg12[%add3A_9, %dma_wait3A_44] : memref<5120x128xf32, #tpu.memory_space<vmem_shared>> -> memref<80x128xf32, #tpu.memory_space<vmem_shared>>
      tpu.wait_dma2 semaphore(%run_scoped3A : memref<!tpu.dma_semaphore, #tpu.memory_space<semaphore_mem>>) src(%arg11 : memref<80x128xf32, #tpu.memory_space<vmem>>) dst(%dma_wait3A_45 : memref<80x128xf32, #tpu.memory_space<vmem_shared>>)
      tpu.yield
    }) : () -> ()
    %add3A_10 = arith.constant 80 : i32
    %add3A_11 = arith.addi %mul3A_8, %add3A_10 : i32
    "tpu.region"() ({
      %run_scoped3A = tpu.sem_alloc : memref<!tpu.dma_semaphore, #tpu.memory_space<semaphore_mem>>
      %dma_start3A = arith.constant 0 : i32
      %dma_start3A_40 = tpu.memref_slice %arg12[%add3A_11, %dma_start3A] : memref<5120x128xf32, #tpu.memory_space<vmem_shared>> -> memref<80x128xf32, #tpu.memory_space<vmem_shared>>
      %dma_start3A_41 = arith.constant 0 : i32
      %dma_start3A_42 = tpu.memref_slice %arg12[%add3A_11, %dma_start3A_41] : memref<5120x128xf32, #tpu.memory_space<vmem_shared>> -> memref<80x128xf32, #tpu.memory_space<vmem_shared>>
      tpu.enqueue_dma source(%arg11 : memref<80x128xf32, #tpu.memory_space<vmem>>) target(%dma_start3A_42 : memref<80x128xf32, #tpu.memory_space<vmem_shared>>) target_semaphore(%run_scoped3A : memref<!tpu.dma_semaphore, #tpu.memory_space<semaphore_mem>>)
      %dma_wait3A = arith.constant 0 : i32
      %dma_wait3A_43 = tpu.memref_slice %arg12[%add3A_11, %dma_wait3A] : memref<5120x128xf32, #tpu.memory_space<vmem_shared>> -> memref<80x128xf32, #tpu.memory_space<vmem_shared>>
      %dma_wait3A_44 = arith.constant 0 : i32
      %dma_wait3A_45 = tpu.memref_slice %arg12[%add3A_11, %dma_wait3A_44] : memref<5120x128xf32, #tpu.memory_space<vmem_shared>> -> memref<80x128xf32, #tpu.memory_space<vmem_shared>>
      tpu.wait_dma2 semaphore(%run_scoped3A : memref<!tpu.dma_semaphore, #tpu.memory_space<semaphore_mem>>) src(%arg11 : memref<80x128xf32, #tpu.memory_space<vmem>>) dst(%dma_wait3A_45 : memref<80x128xf32, #tpu.memory_space<vmem_shared>>)
      tpu.yield
    }) : () -> ()
    %add3A_12 = arith.constant 160 : i32
    %add3A_13 = arith.addi %mul3A_8, %add3A_12 : i32
    "tpu.region"() ({
      %run_scoped3A = tpu.sem_alloc : memref<!tpu.dma_semaphore, #tpu.memory_space<semaphore_mem>>
      %dma_start3A = arith.constant 0 : i32
      %dma_start3A_40 = tpu.memref_slice %arg12[%add3A_13, %dma_start3A] : memref<5120x128xf32, #tpu.memory_space<vmem_shared>> -> memref<80x128xf32, #tpu.memory_space<vmem_shared>>
      %dma_start3A_41 = arith.constant 0 : i32
      %dma_start3A_42 = tpu.memref_slice %arg12[%add3A_13, %dma_start3A_41] : memref<5120x128xf32, #tpu.memory_space<vmem_shared>> -> memref<80x128xf32, #tpu.memory_space<vmem_shared>>
      tpu.enqueue_dma source(%arg11 : memref<80x128xf32, #tpu.memory_space<vmem>>) target(%dma_start3A_42 : memref<80x128xf32, #tpu.memory_space<vmem_shared>>) target_semaphore(%run_scoped3A : memref<!tpu.dma_semaphore, #tpu.memory_space<semaphore_mem>>)
      %dma_wait3A = arith.constant 0 : i32
      %dma_wait3A_43 = tpu.memref_slice %arg12[%add3A_13, %dma_wait3A] : memref<5120x128xf32, #tpu.memory_space<vmem_shared>> -> memref<80x128xf32, #tpu.memory_space<vmem_shared>>
      %dma_wait3A_44 = arith.constant 0 : i32
      %dma_wait3A_45 = tpu.memref_slice %arg12[%add3A_13, %dma_wait3A_44] : memref<5120x128xf32, #tpu.memory_space<vmem_shared>> -> memref<80x128xf32, #tpu.memory_space<vmem_shared>>
      tpu.wait_dma2 semaphore(%run_scoped3A : memref<!tpu.dma_semaphore, #tpu.memory_space<semaphore_mem>>) src(%arg11 : memref<80x128xf32, #tpu.memory_space<vmem>>) dst(%dma_wait3A_45 : memref<80x128xf32, #tpu.memory_space<vmem_shared>>)
      tpu.yield
    }) : () -> ()
    %add3A_14 = arith.constant 240 : i32
    %add3A_15 = arith.addi %mul3A_8, %add3A_14 : i32
    "tpu.region"() ({
      %run_scoped3A = tpu.sem_alloc : memref<!tpu.dma_semaphore, #tpu.memory_space<semaphore_mem>>
      %dma_start3A = arith.constant 0 : i32
      %dma_start3A_40 = tpu.memref_slice %arg12[%add3A_15, %dma_start3A] : memref<5120x128xf32, #tpu.memory_space<vmem_shared>> -> memref<80x128xf32, #tpu.memory_space<vmem_shared>>
      %dma_start3A_41 = arith.constant 0 : i32
      %dma_start3A_42 = tpu.memref_slice %arg12[%add3A_15, %dma_start3A_41] : memref<5120x128xf32, #tpu.memory_space<vmem_shared>> -> memref<80x128xf32, #tpu.memory_space<vmem_shared>>
      tpu.enqueue_dma source(%arg11 : memref<80x128xf32, #tpu.memory_space<vmem>>) target(%dma_start3A_42 : memref<80x128xf32, #tpu.memory_space<vmem_shared>>) target_semaphore(%run_scoped3A : memref<!tpu.dma_semaphore, #tpu.memory_space<semaphore_mem>>)
      %dma_wait3A = arith.constant 0 : i32
      %dma_wait3A_43 = tpu.memref_slice %arg12[%add3A_15, %dma_wait3A] : memref<5120x128xf32, #tpu.memory_space<vmem_shared>> -> memref<80x128xf32, #tpu.memory_space<vmem_shared>>
      %dma_wait3A_44 = arith.constant 0 : i32
      %dma_wait3A_45 = tpu.memref_slice %arg12[%add3A_15, %dma_wait3A_44] : memref<5120x128xf32, #tpu.memory_space<vmem_shared>> -> memref<80x128xf32, #tpu.memory_space<vmem_shared>>
      tpu.wait_dma2 semaphore(%run_scoped3A : memref<!tpu.dma_semaphore, #tpu.memory_space<semaphore_mem>>) src(%arg11 : memref<80x128xf32, #tpu.memory_space<vmem>>) dst(%dma_wait3A_45 : memref<80x128xf32, #tpu.memory_space<vmem_shared>>)
      tpu.yield
    }) : () -> ()
    %barrier3A = arith.constant 0 : index
    tpu.barrier barrier_id(%barrier3A)
    %scan3A_16 = arith.constant 0 : i32
    %scan3A_17 = arith.constant 250 : i32
    %scan3A_18 = arith.addi %scan3A_16, %scan3A_17 : i32
    %scan3A_19 = arith.constant 1 : i32
    scf.for %scan3A_40 = %scan3A_16 to %scan3A_18 step %scan3A_19  : i32 {
      %mul3A_41 = arith.constant 80 : i32
      %mul3A_42 = arith.muli %scan3A_40, %mul3A_41 : i32
      %scan3A_43 = arith.constant 0 : i32
      %scan3A_44 = arith.constant 5 : i32
      %scan3A_45 = arith.addi %scan3A_43, %scan3A_44 : i32
      %scan3A_46 = arith.constant 1 : i32
      scf.for %scan3A_63 = %scan3A_43 to %scan3A_45 step %scan3A_46  : i32 {
        %mul3A_64 = arith.constant 16 : i32
        %mul3A_65 = arith.muli %mul3A_64, %scan3A_63 : i32
        %add3A_66 = arith.addi %mul3A_42, %mul3A_65 : i32
        %get3A = arith.index_cast %add3A_66 : i32 to index
        %get3A_67 = tpu.vector_load %arg5[%get3A] {strides = array<i32>} : memref<20000xi32, #tpu.memory_space<vmem>>, vector<16xi32>,
        %get3A_68 = vector.shape_cast %get3A_67 : vector<16xi32> to vector<16xi32>
        %shift_right_logical3A = arith.constant 14 : i32
        %shift_right_logical3A_69 = vector.broadcast %shift_right_logical3A : i32 to vector<16xi32>
        %shift_right_logical3A_70 = arith.shrui %get3A_68, %shift_right_logical3A_69 : vector<16xi32>
        %and3A = arith.constant 16383 : i32
        %and3A_71 = vector.broadcast %and3A : i32 to vector<16xi32>
        %and3A_72 = arith.andi %get3A_68, %and3A_71 : vector<16xi32>
        %mul3A_73 = arith.constant 2 : i32
        %mul3A_74 = vector.broadcast %mul3A_73 : i32 to vector<16xi32>
        %mul3A_75 = arith.muli %mul3A_74, %shift_right_logical3A_70 : vector<16xi32>
        %add3A_76 = arith.constant 1 : i32
        %add3A_77 = vector.broadcast %add3A_76 : i32 to vector<16xi32>
        %add3A_78 = arith.addi %mul3A_75, %add3A_77 : vector<16xi32>
        %mul3A_79 = arith.constant 16 : i32
        %mul3A_80 = arith.muli %mul3A_79, %scan3A_63 : i32
        %swap3A = arith.index_cast %mul3A_80 : i32 to index
        %swap3A_81 = tpu.vector_load %arg6[%swap3A] {strides = array<i32>} : memref<80xi32, #tpu.memory_space<vmem>>, vector<16xi32>,
        %swap3A_82 = vector.shape_cast %swap3A_81 : vector<16xi32> to vector<16xi32>
        %swap3A_83 = vector.shape_cast %add3A_78 : vector<16xi32> to vector<16xi32>
        tpu.vector_store %arg6[%swap3A], %swap3A_83 {strides = array<i32>} : memref<80xi32, #tpu.memory_space<vmem>>, vector<16xi32>,
        %mul3A_84 = arith.constant 2 : i32
        %mul3A_85 = vector.broadcast %mul3A_84 : i32 to vector<16xi32>
        %mul3A_86 = arith.muli %mul3A_85, %and3A_72 : vector<16xi32>
        %add3A_87 = arith.constant 1 : i32
        %add3A_88 = vector.broadcast %add3A_87 : i32 to vector<16xi32>
        %add3A_89 = arith.addi %mul3A_86, %add3A_88 : vector<16xi32>
        %mul3A_90 = arith.constant 16 : i32
        %mul3A_91 = arith.muli %mul3A_90, %scan3A_63 : i32
        %swap3A_92 = arith.index_cast %mul3A_91 : i32 to index
        %swap3A_93 = tpu.vector_load %arg7[%swap3A_92] {strides = array<i32>} : memref<80xi32, #tpu.memory_space<vmem>>, vector<16xi32>,
        %swap3A_94 = vector.shape_cast %swap3A_93 : vector<16xi32> to vector<16xi32>
        %swap3A_95 = vector.shape_cast %add3A_89 : vector<16xi32> to vector<16xi32>
        tpu.vector_store %arg7[%swap3A_92], %swap3A_95 {strides = array<i32>} : memref<80xi32, #tpu.memory_space<vmem>>, vector<16xi32>,
        %sub3A = vector.broadcast %mul3A_0 : i32 to vector<16xi32>
        %sub3A_96 = arith.subi %and3A_72, %sub3A : vector<16xi32>
        %ge3A = arith.constant 0 : i32
        %ge3A_97 = vector.broadcast %ge3A : i32 to vector<16xi32>
        %ge3A_98 = arith.cmpi sge, %sub3A_96, %ge3A_97 : vector<16xi32>
        %lt3A = arith.constant 5000 : i32
        %lt3A_99 = vector.broadcast %lt3A : i32 to vector<16xi32>
        %lt3A_100 = arith.cmpi slt, %sub3A_96, %lt3A_99 : vector<16xi32>
        %and3A_101 = arith.andi %ge3A_98, %lt3A_100 : vector<16xi1>
        %jit3A = arith.constant 5000 : i32
        %broadcast_in_dim3A = vector.broadcast %jit3A : i32 to vector<16xi32>
        %select_n3A = arith.select %and3A_101, %sub3A_96, %broadcast_in_dim3A : vector<16xi1>, vector<16xi32>
        %mul3A_102 = arith.constant 16 : i32
        %mul3A_103 = arith.muli %mul3A_102, %scan3A_63 : i32
        %swap3A_104 = arith.index_cast %mul3A_103 : i32 to index
        %swap3A_105 = tpu.vector_load %arg8[%swap3A_104] {strides = array<i32>} : memref<80xi32, #tpu.memory_space<vmem>>, vector<16xi32>,
        %swap3A_106 = vector.shape_cast %swap3A_105 : vector<16xi32> to vector<16xi32>
        %swap3A_107 = vector.shape_cast %select_n3A : vector<16xi32> to vector<16xi32>
        tpu.vector_store %arg8[%swap3A_104], %swap3A_107 {strides = array<i32>} : memref<80xi32, #tpu.memory_space<vmem>>, vector<16xi32>,
      }
      %scan3A_47 = arith.constant 5 : i32
      %dma_start3A = arith.constant 0 : i32
      %dma_start3A_48 = arith.constant 0 : i32
      %dma_start3A_49 = tpu.memref_slice %arg2[%dma_start3A, %dma_start3A_48] : memref<20000x128xf32, #tpu.memory_space<hbm>> -> memref<20000x128xf32, #tpu.memory_space<hbm>>
      tpu.enqueue_indirect_dma source(%dma_start3A_49 : memref<20000x128xf32, #tpu.memory_space<hbm>>) target(%arg9 : memref<80x128xf32, #tpu.memory_space<vmem>>) offsets(%arg6 : memref<80xi32, #tpu.memory_space<vmem>>) semaphore(%arg13 : memref<!tpu.dma_semaphore, #tpu.memory_space<semaphore_mem>>)
      %dma_wait3A = arith.constant 0 : i32
      %dma_wait3A_50 = arith.constant 0 : i32
      %dma_wait3A_51 = tpu.memref_slice %arg2[%dma_wait3A, %dma_wait3A_50] : memref<20000x128xf32, #tpu.memory_space<hbm>> -> memref<20000x128xf32, #tpu.memory_space<hbm>>
      tpu.wait_indirect_dma semaphore(%arg13 : memref<!tpu.dma_semaphore, #tpu.memory_space<semaphore_mem>>) src(%dma_wait3A_51 : memref<20000x128xf32, #tpu.memory_space<hbm>>) dst(%arg9 : memref<80x128xf32, #tpu.memory_space<vmem>>)
      %dma_start3A_52 = arith.constant 0 : i32
      %dma_start3A_53 = arith.constant 0 : i32
      %dma_start3A_54 = tpu.memref_slice %arg2[%dma_start3A_52, %dma_start3A_53] : memref<20000x128xf32, #tpu.memory_space<hbm>> -> memref<20000x128xf32, #tpu.memory_space<hbm>>
      tpu.enqueue_indirect_dma source(%dma_start3A_54 : memref<20000x128xf32, #tpu.memory_space<hbm>>) target(%arg10 : memref<80x128xf32, #tpu.memory_space<vmem>>) offsets(%arg7 : memref<80xi32, #tpu.memory_space<vmem>>) semaphore(%arg13 : memref<!tpu.dma_semaphore, #tpu.memory_space<semaphore_mem>>)
      %dma_wait3A_55 = arith.constant 0 : i32
      %dma_wait3A_56 = arith.constant 0 : i32
      %dma_wait3A_57 = tpu.memref_slice %arg2[%dma_wait3A_55, %dma_wait3A_56] : memref<20000x128xf32, #tpu.memory_space<hbm>> -> memref<20000x128xf32, #tpu.memory_space<hbm>>
      tpu.wait_indirect_dma semaphore(%arg13 : memref<!tpu.dma_semaphore, #tpu.memory_space<semaphore_mem>>) src(%dma_wait3A_57 : memref<20000x128xf32, #tpu.memory_space<hbm>>) dst(%arg10 : memref<80x128xf32, #tpu.memory_space<vmem>>)
      %scan3A_58 = arith.constant 0 : i32
      %scan3A_59 = arith.constant 80 : i32
      %scan3A_60 = arith.addi %scan3A_58, %scan3A_59 : i32
      %scan3A_61 = arith.constant 1 : i32
      scf.for %scan3A_63 = %scan3A_58 to %scan3A_60 step %scan3A_61  : i32 {
        %get3A = arith.index_cast %scan3A_63 : i32 to index
        %get3A_64 = arith.constant 0 : index
        %get3A_65 = tpu.vector_load %arg9[%get3A, %get3A_64] {strides = array<i32>} : memref<80x128xf32, #tpu.memory_space<vmem>>, vector<1x16xf32>,
        %get3A_66 = vector.shape_cast %get3A_65 : vector<1x16xf32> to vector<16xf32>
        %get3A_67 = arith.index_cast %scan3A_63 : i32 to index
        %get3A_68 = arith.constant 16 : index
        %get3A_69 = tpu.vector_load %arg10[%get3A_67, %get3A_68] {strides = array<i32>} : memref<80x128xf32, #tpu.memory_space<vmem>>, vector<1x16xf32>,
        %get3A_70 = vector.shape_cast %get3A_69 : vector<1x16xf32> to vector<16xf32>
        %add3A_71 = arith.addf %get3A_66, %get3A_70 : vector<16xf32>
        %mul3A_72 = arith.constant 2.000000e-01 : f32
        %mul3A_73 = vector.broadcast %mul3A_72 : f32 to vector<16xf32>
        %mul3A_74 = arith.mulf %mul3A_73, %add3A_71 : vector<16xf32>
        %max3A = arith.maximumf %add3A_71, %mul3A_74 : vector<16xf32>
        %exp3A = math.exp %max3A : vector<16xf32>
        %swap3A = arith.index_cast %scan3A_63 : i32 to index
        %swap3A_75 = arith.constant 0 : index
        %swap3A_76 = tpu.vector_load %arg11[%swap3A, %swap3A_75] {strides = array<i32>} : memref<80x128xf32, #tpu.memory_space<vmem>>, vector<1x16xf32>,
        %swap3A_77 = vector.shape_cast %swap3A_76 : vector<1x16xf32> to vector<16xf32>
        %swap3A_78 = vector.shape_cast %exp3A : vector<16xf32> to vector<1x16xf32>
        tpu.vector_store %arg11[%swap3A, %swap3A_75], %swap3A_78 {strides = array<i32>} : memref<80x128xf32, #tpu.memory_space<vmem>>, vector<1x16xf32>,
      }
      %scan3A_62 = arith.constant 80 : i32
      "tpu.region"() ({
        %run_scoped3A = tpu.sem_alloc : memref<!tpu.dma_semaphore, #tpu.memory_space<semaphore_mem>>
        %dma_start3A_63 = arith.constant 0 : i32
        %dma_start3A_64 = arith.constant 0 : i32
        %dma_start3A_65 = tpu.memref_slice %arg12[%dma_start3A_63, %dma_start3A_64] : memref<5120x128xf32, #tpu.memory_space<vmem_shared>> -> memref<5120x128xf32, #tpu.memory_space<vmem_shared>>
        tpu.enqueue_indirect_dma source(%arg11 : memref<80x128xf32, #tpu.memory_space<vmem>>) target(%dma_start3A_65 : memref<5120x128xf32, #tpu.memory_space<vmem_shared>>) offsets(%arg8 : memref<80xi32, #tpu.memory_space<vmem>>) semaphore(%run_scoped3A : memref<!tpu.dma_semaphore, #tpu.memory_space<semaphore_mem>>) {add = true}
        %dma_wait3A_66 = arith.constant 0 : i32
        %dma_wait3A_67 = arith.constant 0 : i32
        %dma_wait3A_68 = tpu.memref_slice %arg12[%dma_wait3A_66, %dma_wait3A_67] : memref<5120x128xf32, #tpu.memory_space<vmem_shared>> -> memref<5120x128xf32, #tpu.memory_space<vmem_shared>>
        tpu.wait_indirect_dma semaphore(%run_scoped3A : memref<!tpu.dma_semaphore, #tpu.memory_space<semaphore_mem>>) src(%arg11 : memref<80x128xf32, #tpu.memory_space<vmem>>) dst(%dma_wait3A_68 : memref<5120x128xf32, #tpu.memory_space<vmem_shared>>)
        tpu.yield
      }) : () -> ()
    }
    %scan3A_20 = arith.constant 250 : i32
    %barrier3A_21 = arith.constant 0 : index
    tpu.barrier barrier_id(%barrier3A_21)
    %mul3A_22 = arith.constant 320 : i32
    %mul3A_23 = arith.muli %arg1, %mul3A_22 : i32
    %add3A_24 = arith.constant 0 : i32
    %add3A_25 = arith.addi %mul3A_23, %add3A_24 : i32
    "tpu.region"() ({
      %run_scoped3A = tpu.sem_alloc : memref<!tpu.dma_semaphore, #tpu.memory_space<semaphore_mem>>
      %dma_start3A = arith.constant 0 : i32
      %dma_start3A_40 = tpu.memref_slice %arg12[%add3A_25, %dma_start3A] : memref<5120x128xf32, #tpu.memory_space<vmem_shared>> -> memref<80x128xf32, #tpu.memory_space<vmem_shared>>
      %dma_start3A_41 = arith.constant 0 : i32
      %dma_start3A_42 = tpu.memref_slice %arg12[%add3A_25, %dma_start3A_41] : memref<5120x128xf32, #tpu.memory_space<vmem_shared>> -> memref<80x128xf32, #tpu.memory_space<vmem_shared>>
      tpu.enqueue_dma source(%dma_start3A_42 : memref<80x128xf32, #tpu.memory_space<vmem_shared>>) target(%arg11 : memref<80x128xf32, #tpu.memory_space<vmem>>) target_semaphore(%run_scoped3A : memref<!tpu.dma_semaphore, #tpu.memory_space<semaphore_mem>>)
      %dma_wait3A = arith.constant 0 : i32
      %dma_wait3A_43 = tpu.memref_slice %arg12[%add3A_25, %dma_wait3A] : memref<5120x128xf32, #tpu.memory_space<vmem_shared>> -> memref<80x128xf32, #tpu.memory_space<vmem_shared>>
      %dma_wait3A_44 = arith.constant 0 : i32
      %dma_wait3A_45 = tpu.memref_slice %arg12[%add3A_25, %dma_wait3A_44] : memref<5120x128xf32, #tpu.memory_space<vmem_shared>> -> memref<80x128xf32, #tpu.memory_space<vmem_shared>>
      tpu.wait_dma2 semaphore(%run_scoped3A : memref<!tpu.dma_semaphore, #tpu.memory_space<semaphore_mem>>) src(%dma_wait3A_45 : memref<80x128xf32, #tpu.memory_space<vmem_shared>>) dst(%arg11 : memref<80x128xf32, #tpu.memory_space<vmem>>)
      tpu.yield
    }) : () -> ()
    %add3A_26 = arith.constant 0 : i32
    %add3A_27 = arith.addi %mul3A_23, %add3A_26 : i32
    "tpu.region"() ({
      %run_scoped3A = tpu.sem_alloc : memref<!tpu.dma_semaphore, #tpu.memory_space<semaphore_mem>>
      %dma_start3A = arith.constant 0 : i32
      %dma_start3A_40 = tpu.memref_slice %arg4[%arg0, %add3A_27, %dma_start3A] : memref<2x5120x128xf32, #tpu.memory_space<hbm>> -> memref<1x80x128xf32, #tpu.memory_space<hbm>>
      %dma_start3A_41 = tpu.memref_squeeze %dma_start3A_40 : memref<1x80x128xf32, #tpu.memory_space<hbm>> -> memref<80x128xf32, #tpu.memory_space<hbm>>
      %dma_start3A_42 = arith.constant 0 : i32
      %dma_start3A_43 = tpu.memref_slice %arg4[%arg0, %add3A_27, %dma_start3A_42] : memref<2x5120x128xf32, #tpu.memory_space<hbm>> -> memref<1x80x128xf32, #tpu.memory_space<hbm>>
      %dma_start3A_44 = tpu.memref_squeeze %dma_start3A_43 : memref<1x80x128xf32, #tpu.memory_space<hbm>> -> memref<80x128xf32, #tpu.memory_space<hbm>>
      tpu.enqueue_dma source(%arg11 : memref<80x128xf32, #tpu.memory_space<vmem>>) target(%dma_start3A_44 : memref<80x128xf32, #tpu.memory_space<hbm>>) target_semaphore(%run_scoped3A : memref<!tpu.dma_semaphore, #tpu.memory_space<semaphore_mem>>)
      %dma_wait3A = arith.constant 0 : i32
      %dma_wait3A_45 = tpu.memref_slice %arg4[%arg0, %add3A_27, %dma_wait3A] : memref<2x5120x128xf32, #tpu.memory_space<hbm>> -> memref<1x80x128xf32, #tpu.memory_space<hbm>>
      %dma_wait3A_46 = tpu.memref_squeeze %dma_wait3A_45 : memref<1x80x128xf32, #tpu.memory_space<hbm>> -> memref<80x128xf32, #tpu.memory_space<hbm>>
      %dma_wait3A_47 = arith.constant 0 : i32
      %dma_wait3A_48 = tpu.memref_slice %arg4[%arg0, %add3A_27, %dma_wait3A_47] : memref<2x5120x128xf32, #tpu.memory_space<hbm>> -> memref<1x80x128xf32, #tpu.memory_space<hbm>>
      %dma_wait3A_49 = tpu.memref_squeeze %dma_wait3A_48 : memref<1x80x128xf32, #tpu.memory_space<hbm>> -> memref<80x128xf32, #tpu.memory_space<hbm>>
      tpu.wait_dma2 semaphore(%run_scoped3A : memref<!tpu.dma_semaphore, #tpu.memory_space<semaphore_mem>>) src(%arg11 : memref<80x128xf32, #tpu.memory_space<vmem>>) dst(%dma_wait3A_49 : memref<80x128xf32, #tpu.memory_space<hbm>>)
      tpu.yield
    }) : () -> ()
    %add3A_28 = arith.constant 80 : i32
    %add3A_29 = arith.addi %mul3A_23, %add3A_28 : i32
    "tpu.region"() ({
      %run_scoped3A = tpu.sem_alloc : memref<!tpu.dma_semaphore, #tpu.memory_space<semaphore_mem>>
      %dma_start3A = arith.constant 0 : i32
      %dma_start3A_40 = tpu.memref_slice %arg12[%add3A_29, %dma_start3A] : memref<5120x128xf32, #tpu.memory_space<vmem_shared>> -> memref<80x128xf32, #tpu.memory_space<vmem_shared>>
      %dma_start3A_41 = arith.constant 0 : i32
      %dma_start3A_42 = tpu.memref_slice %arg12[%add3A_29, %dma_start3A_41] : memref<5120x128xf32, #tpu.memory_space<vmem_shared>> -> memref<80x128xf32, #tpu.memory_space<vmem_shared>>
      tpu.enqueue_dma source(%dma_start3A_42 : memref<80x128xf32, #tpu.memory_space<vmem_shared>>) target(%arg11 : memref<80x128xf32, #tpu.memory_space<vmem>>) target_semaphore(%run_scoped3A : memref<!tpu.dma_semaphore, #tpu.memory_space<semaphore_mem>>)
      %dma_wait3A = arith.constant 0 : i32
      %dma_wait3A_43 = tpu.memref_slice %arg12[%add3A_29, %dma_wait3A] : memref<5120x128xf32, #tpu.memory_space<vmem_shared>> -> memref<80x128xf32, #tpu.memory_space<vmem_shared>>
      %dma_wait3A_44 = arith.constant 0 : i32
      %dma_wait3A_45 = tpu.memref_slice %arg12[%add3A_29, %dma_wait3A_44] : memref<5120x128xf32, #tpu.memory_space<vmem_shared>> -> memref<80x128xf32, #tpu.memory_space<vmem_shared>>
      tpu.wait_dma2 semaphore(%run_scoped3A : memref<!tpu.dma_semaphore, #tpu.memory_space<semaphore_mem>>) src(%dma_wait3A_45 : memref<80x128xf32, #tpu.memory_space<vmem_shared>>) dst(%arg11 : memref<80x128xf32, #tpu.memory_space<vmem>>)
      tpu.yield
    }) : () -> ()
    %add3A_30 = arith.constant 80 : i32
    %add3A_31 = arith.addi %mul3A_23, %add3A_30 : i32
    "tpu.region"() ({
      %run_scoped3A = tpu.sem_alloc : memref<!tpu.dma_semaphore, #tpu.memory_space<semaphore_mem>>
      %dma_start3A = arith.constant 0 : i32
      %dma_start3A_40 = tpu.memref_slice %arg4[%arg0, %add3A_31, %dma_start3A] : memref<2x5120x128xf32, #tpu.memory_space<hbm>> -> memref<1x80x128xf32, #tpu.memory_space<hbm>>
      %dma_start3A_41 = tpu.memref_squeeze %dma_start3A_40 : memref<1x80x128xf32, #tpu.memory_space<hbm>> -> memref<80x128xf32, #tpu.memory_space<hbm>>
      %dma_start3A_42 = arith.constant 0 : i32
      %dma_start3A_43 = tpu.memref_slice %arg4[%arg0, %add3A_31, %dma_start3A_42] : memref<2x5120x128xf32, #tpu.memory_space<hbm>> -> memref<1x80x128xf32, #tpu.memory_space<hbm>>
      %dma_start3A_44 = tpu.memref_squeeze %dma_start3A_43 : memref<1x80x128xf32, #tpu.memory_space<hbm>> -> memref<80x128xf32, #tpu.memory_space<hbm>>
      tpu.enqueue_dma source(%arg11 : memref<80x128xf32, #tpu.memory_space<vmem>>) target(%dma_start3A_44 : memref<80x128xf32, #tpu.memory_space<hbm>>) target_semaphore(%run_scoped3A : memref<!tpu.dma_semaphore, #tpu.memory_space<semaphore_mem>>)
      %dma_wait3A = arith.constant 0 : i32
      %dma_wait3A_45 = tpu.memref_slice %arg4[%arg0, %add3A_31, %dma_wait3A] : memref<2x5120x128xf32, #tpu.memory_space<hbm>> -> memref<1x80x128xf32, #tpu.memory_space<hbm>>
      %dma_wait3A_46 = tpu.memref_squeeze %dma_wait3A_45 : memref<1x80x128xf32, #tpu.memory_space<hbm>> -> memref<80x128xf32, #tpu.memory_space<hbm>>
      %dma_wait3A_47 = arith.constant 0 : i32
      %dma_wait3A_48 = tpu.memref_slice %arg4[%arg0, %add3A_31, %dma_wait3A_47] : memref<2x5120x128xf32, #tpu.memory_space<hbm>> -> memref<1x80x128xf32, #tpu.memory_space<hbm>>
      %dma_wait3A_49 = tpu.memref_squeeze %dma_wait3A_48 : memref<1x80x128xf32, #tpu.memory_space<hbm>> -> memref<80x128xf32, #tpu.memory_space<hbm>>
      tpu.wait_dma2 semaphore(%run_scoped3A : memref<!tpu.dma_semaphore, #tpu.memory_space<semaphore_mem>>) src(%arg11 : memref<80x128xf32, #tpu.memory_space<vmem>>) dst(%dma_wait3A_49 : memref<80x128xf32, #tpu.memory_space<hbm>>)
      tpu.yield
    }) : () -> ()
    %add3A_32 = arith.constant 160 : i32
    %add3A_33 = arith.addi %mul3A_23, %add3A_32 : i32
    "tpu.region"() ({
      %run_scoped3A = tpu.sem_alloc : memref<!tpu.dma_semaphore, #tpu.memory_space<semaphore_mem>>
      %dma_start3A = arith.constant 0 : i32
      %dma_start3A_40 = tpu.memref_slice %arg12[%add3A_33, %dma_start3A] : memref<5120x128xf32, #tpu.memory_space<vmem_shared>> -> memref<80x128xf32, #tpu.memory_space<vmem_shared>>
      %dma_start3A_41 = arith.constant 0 : i32
      %dma_start3A_42 = tpu.memref_slice %arg12[%add3A_33, %dma_start3A_41] : memref<5120x128xf32, #tpu.memory_space<vmem_shared>> -> memref<80x128xf32, #tpu.memory_space<vmem_shared>>
      tpu.enqueue_dma source(%dma_start3A_42 : memref<80x128xf32, #tpu.memory_space<vmem_shared>>) target(%arg11 : memref<80x128xf32, #tpu.memory_space<vmem>>) target_semaphore(%run_scoped3A : memref<!tpu.dma_semaphore, #tpu.memory_space<semaphore_mem>>)
      %dma_wait3A = arith.constant 0 : i32
      %dma_wait3A_43 = tpu.memref_slice %arg12[%add3A_33, %dma_wait3A] : memref<5120x128xf32, #tpu.memory_space<vmem_shared>> -> memref<80x128xf32, #tpu.memory_space<vmem_shared>>
      %dma_wait3A_44 = arith.constant 0 : i32
      %dma_wait3A_45 = tpu.memref_slice %arg12[%add3A_33, %dma_wait3A_44] : memref<5120x128xf32, #tpu.memory_space<vmem_shared>> -> memref<80x128xf32, #tpu.memory_space<vmem_shared>>
      tpu.wait_dma2 semaphore(%run_scoped3A : memref<!tpu.dma_semaphore, #tpu.memory_space<semaphore_mem>>) src(%dma_wait3A_45 : memref<80x128xf32, #tpu.memory_space<vmem_shared>>) dst(%arg11 : memref<80x128xf32, #tpu.memory_space<vmem>>)
      tpu.yield
    }) : () -> ()
    %add3A_34 = arith.constant 160 : i32
    %add3A_35 = arith.addi %mul3A_23, %add3A_34 : i32
    "tpu.region"() ({
      %run_scoped3A = tpu.sem_alloc : memref<!tpu.dma_semaphore, #tpu.memory_space<semaphore_mem>>
      %dma_start3A = arith.constant 0 : i32
      %dma_start3A_40 = tpu.memref_slice %arg4[%arg0, %add3A_35, %dma_start3A] : memref<2x5120x128xf32, #tpu.memory_space<hbm>> -> memref<1x80x128xf32, #tpu.memory_space<hbm>>
      %dma_start3A_41 = tpu.memref_squeeze %dma_start3A_40 : memref<1x80x128xf32, #tpu.memory_space<hbm>> -> memref<80x128xf32, #tpu.memory_space<hbm>>
      %dma_start3A_42 = arith.constant 0 : i32
      %dma_start3A_43 = tpu.memref_slice %arg4[%arg0, %add3A_35, %dma_start3A_42] : memref<2x5120x128xf32, #tpu.memory_space<hbm>> -> memref<1x80x128xf32, #tpu.memory_space<hbm>>
      %dma_start3A_44 = tpu.memref_squeeze %dma_start3A_43 : memref<1x80x128xf32, #tpu.memory_space<hbm>> -> memref<80x128xf32, #tpu.memory_space<hbm>>
      tpu.enqueue_dma source(%arg11 : memref<80x128xf32, #tpu.memory_space<vmem>>) target(%dma_start3A_44 : memref<80x128xf32, #tpu.memory_space<hbm>>) target_semaphore(%run_scoped3A : memref<!tpu.dma_semaphore, #tpu.memory_space<semaphore_mem>>)
      %dma_wait3A = arith.constant 0 : i32
      %dma_wait3A_45 = tpu.memref_slice %arg4[%arg0, %add3A_35, %dma_wait3A] : memref<2x5120x128xf32, #tpu.memory_space<hbm>> -> memref<1x80x128xf32, #tpu.memory_space<hbm>>
      %dma_wait3A_46 = tpu.memref_squeeze %dma_wait3A_45 : memref<1x80x128xf32, #tpu.memory_space<hbm>> -> memref<80x128xf32, #tpu.memory_space<hbm>>
      %dma_wait3A_47 = arith.constant 0 : i32
      %dma_wait3A_48 = tpu.memref_slice %arg4[%arg0, %add3A_35, %dma_wait3A_47] : memref<2x5120x128xf32, #tpu.memory_space<hbm>> -> memref<1x80x128xf32, #tpu.memory_space<hbm>>
      %dma_wait3A_49 = tpu.memref_squeeze %dma_wait3A_48 : memref<1x80x128xf32, #tpu.memory_space<hbm>> -> memref<80x128xf32, #tpu.memory_space<hbm>>
      tpu.wait_dma2 semaphore(%run_scoped3A : memref<!tpu.dma_semaphore, #tpu.memory_space<semaphore_mem>>) src(%arg11 : memref<80x128xf32, #tpu.memory_space<vmem>>) dst(%dma_wait3A_49 : memref<80x128xf32, #tpu.memory_space<hbm>>)
      tpu.yield
    }) : () -> ()
    %add3A_36 = arith.constant 240 : i32
    %add3A_37 = arith.addi %mul3A_23, %add3A_36 : i32
    "tpu.region"() ({
      %run_scoped3A = tpu.sem_alloc : memref<!tpu.dma_semaphore, #tpu.memory_space<semaphore_mem>>
      %dma_start3A = arith.constant 0 : i32
      %dma_start3A_40 = tpu.memref_slice %arg12[%add3A_37, %dma_start3A] : memref<5120x128xf32, #tpu.memory_space<vmem_shared>> -> memref<80x128xf32, #tpu.memory_space<vmem_shared>>
      %dma_start3A_41 = arith.constant 0 : i32
      %dma_start3A_42 = tpu.memref_slice %arg12[%add3A_37, %dma_start3A_41] : memref<5120x128xf32, #tpu.memory_space<vmem_shared>> -> memref<80x128xf32, #tpu.memory_space<vmem_shared>>
      tpu.enqueue_dma source(%dma_start3A_42 : memref<80x128xf32, #tpu.memory_space<vmem_shared>>) target(%arg11 : memref<80x128xf32, #tpu.memory_space<vmem>>) target_semaphore(%run_scoped3A : memref<!tpu.dma_semaphore, #tpu.memory_space<semaphore_mem>>)
      %dma_wait3A = arith.constant 0 : i32
      %dma_wait3A_43 = tpu.memref_slice %arg12[%add3A_37, %dma_wait3A] : memref<5120x128xf32, #tpu.memory_space<vmem_shared>> -> memref<80x128xf32, #tpu.memory_space<vmem_shared>>
      %dma_wait3A_44 = arith.constant 0 : i32
      %dma_wait3A_45 = tpu.memref_slice %arg12[%add3A_37, %dma_wait3A_44] : memref<5120x128xf32, #tpu.memory_space<vmem_shared>> -> memref<80x128xf32, #tpu.memory_space<vmem_shared>>
      tpu.wait_dma2 semaphore(%run_scoped3A : memref<!tpu.dma_semaphore, #tpu.memory_space<semaphore_mem>>) src(%dma_wait3A_45 : memref<80x128xf32, #tpu.memory_space<vmem_shared>>) dst(%arg11 : memref<80x128xf32, #tpu.memory_space<vmem>>)
      tpu.yield
    }) : () -> ()
    %add3A_38 = arith.constant 240 : i32
    %add3A_39 = arith.addi %mul3A_23, %add3A_38 : i32
    "tpu.region"() ({
      %run_scoped3A = tpu.sem_alloc : memref<!tpu.dma_semaphore, #tpu.memory_space<semaphore_mem>>
      %dma_start3A = arith.constant 0 : i32
      %dma_start3A_40 = tpu.memref_slice %arg4[%arg0, %add3A_39, %dma_start3A] : memref<2x5120x128xf32, #tpu.memory_space<hbm>> -> memref<1x80x128xf32, #tpu.memory_space<hbm>>
      %dma_start3A_41 = tpu.memref_squeeze %dma_start3A_40 : memref<1x80x128xf32, #tpu.memory_space<hbm>> -> memref<80x128xf32, #tpu.memory_space<hbm>>
      %dma_start3A_42 = arith.constant 0 : i32
      %dma_start3A_43 = tpu.memref_slice %arg4[%arg0, %add3A_39, %dma_start3A_42] : memref<2x5120x128xf32, #tpu.memory_space<hbm>> -> memref<1x80x128xf32, #tpu.memory_space<hbm>>
      %dma_start3A_44 = tpu.memref_squeeze %dma_start3A_43 : memref<1x80x128xf32, #tpu.memory_space<hbm>> -> memref<80x128xf32, #tpu.memory_space<hbm>>
      tpu.enqueue_dma source(%arg11 : memref<80x128xf32, #tpu.memory_space<vmem>>) target(%dma_start3A_44 : memref<80x128xf32, #tpu.memory_space<hbm>>) target_semaphore(%run_scoped3A : memref<!tpu.dma_semaphore, #tpu.memory_space<semaphore_mem>>)
      %dma_wait3A = arith.constant 0 : i32
      %dma_wait3A_45 = tpu.memref_slice %arg4[%arg0, %add3A_39, %dma_wait3A] : memref<2x5120x128xf32, #tpu.memory_space<hbm>> -> memref<1x80x128xf32, #tpu.memory_space<hbm>>
      %dma_wait3A_46 = tpu.memref_squeeze %dma_wait3A_45 : memref<1x80x128xf32, #tpu.memory_space<hbm>> -> memref<80x128xf32, #tpu.memory_space<hbm>>
      %dma_wait3A_47 = arith.constant 0 : i32
      %dma_wait3A_48 = tpu.memref_slice %arg4[%arg0, %add3A_39, %dma_wait3A_47] : memref<2x5120x128xf32, #tpu.memory_space<hbm>> -> memref<1x80x128xf32, #tpu.memory_space<hbm>>
      %dma_wait3A_49 = tpu.memref_squeeze %dma_wait3A_48 : memref<1x80x128xf32, #tpu.memory_space<hbm>> -> memref<80x128xf32, #tpu.memory_space<hbm>>
      tpu.wait_dma2 semaphore(%run_scoped3A : memref<!tpu.dma_semaphore, #tpu.memory_space<semaphore_mem>>) src(%arg11 : memref<80x128xf32, #tpu.memory_space<vmem>>) dst(%dma_wait3A_49 : memref<80x128xf32, #tpu.memory_space<hbm>>)
      tpu.yield
    }) : () -> ()
    return
  }
}

module attributes {stable_mosaic.version = 14 : i64} {
  func.func @_prep_body(%arg0: i32, %arg1: memref<1000x128xf32, #tpu.memory_space<vmem>>, %arg2: memref<128x128xf32, #tpu.memory_space<vmem>>, %arg3: memref<128x16xf32, #tpu.memory_space<vmem>>, %arg4: memref<128x16xf32, #tpu.memory_space<vmem>>, %arg5: memref<1000x128xf32, #tpu.memory_space<vmem>>, %arg6: memref<1000x128xf32, #tpu.memory_space<vmem>>) attributes {dimension_semantics = [#tpu.dimension_semantics<arbitrary>], iteration_bounds = array<i64: 10>, scalar_prefetch = 0 : i64, scratch_operands = 0 : i64, tpu.core_type = #tpu.core_type<tc>, window_params = [{transform_indices = @transform_0, window_bounds = array<i64: 1000, 128>}, {pipeline_mode = #tpu.pipeline_mode<synchronous>, transform_indices = @transform_1, window_bounds = array<i64: 128, 128>}, {pipeline_mode = #tpu.pipeline_mode<synchronous>, transform_indices = @transform_2, window_bounds = array<i64: 128, 16>}, {pipeline_mode = #tpu.pipeline_mode<synchronous>, transform_indices = @transform_3, window_bounds = array<i64: 128, 16>}, {transform_indices = @transform_4, window_bounds = array<i64: 1000, 128>}, {transform_indices = @transform_5, window_bounds = array<i64: 1000, 128>}]} {
    %get3A = arith.constant 0 : index
    %get3A_0 = arith.constant 0 : index
    %get3A_1 = vector.load %arg1[%get3A, %get3A_0] : memref<1000x128xf32, #tpu.memory_space<vmem>>, vector<1000x128xf32>
    %get3A_2 = arith.constant 0 : index
    %get3A_3 = arith.constant 0 : index
    %get3A_4 = vector.load %arg2[%get3A_2, %get3A_3] : memref<128x128xf32, #tpu.memory_space<vmem>>, vector<128x128xf32>
    %dot_general3A = arith.constant dense<0.000000e+00> : vector<1000x128xf32>
    %dot_general3A_5 = tpu.matmul %get3A_1, %get3A_4, %dot_general3A {dimension_numbers = #tpu.dot_dimension_numbers<[1], [0], [0], [1], [0, 0, 1, 1], [], []>, transpose_lhs_hint = false} : vector<1000x128xf32>, vector<128x128xf32>, vector<1000x128xf32> -> vector<1000x128xf32>
    %swap3A = arith.constant 0 : index
    %swap3A_6 = arith.constant 0 : index
    %swap3A_7 = vector.load %arg5[%swap3A, %swap3A_6] : memref<1000x128xf32, #tpu.memory_space<vmem>>, vector<1000x128xf32>
    tpu.vector_store %arg5[%swap3A, %swap3A_6], %dot_general3A_5 {strides = array<i32>} : memref<1000x128xf32, #tpu.memory_space<vmem>>, vector<1000x128xf32>,
    %get3A_8 = arith.constant 0 : index
    %get3A_9 = arith.constant 0 : index
    %get3A_10 = vector.load %arg3[%get3A_8, %get3A_9] : memref<128x16xf32, #tpu.memory_space<vmem>>, vector<128x16xf32>
    %dot_general3A_11 = arith.constant dense<0.000000e+00> : vector<1000x16xf32>
    %dot_general3A_12 = tpu.matmul %dot_general3A_5, %get3A_10, %dot_general3A_11 {dimension_numbers = #tpu.dot_dimension_numbers<[1], [0], [0], [1], [0, 0, 1, 1], [], []>, transpose_lhs_hint = false} : vector<1000x128xf32>, vector<128x16xf32>, vector<1000x16xf32> -> vector<1000x16xf32>
    %get3A_13 = arith.constant 0 : index
    %get3A_14 = arith.constant 0 : index
    %get3A_15 = vector.load %arg4[%get3A_13, %get3A_14] : memref<128x16xf32, #tpu.memory_space<vmem>>, vector<128x16xf32>
    %dot_general3A_16 = arith.constant dense<0.000000e+00> : vector<1000x16xf32>
    %dot_general3A_17 = tpu.matmul %dot_general3A_5, %get3A_15, %dot_general3A_16 {dimension_numbers = #tpu.dot_dimension_numbers<[1], [0], [0], [1], [0, 0, 1, 1], [], []>, transpose_lhs_hint = false} : vector<1000x128xf32>, vector<128x16xf32>, vector<1000x16xf32> -> vector<1000x16xf32>
    %broadcast_in_dim3A = arith.constant 0.000000e+00 : f32
    %broadcast_in_dim3A_18 = vector.broadcast %broadcast_in_dim3A : f32 to vector<1000x96xf32>
    %concatenate3A = tpu.concatenate %dot_general3A_12, %dot_general3A_17, %broadcast_in_dim3A_18 in 1 : vector<1000x16xf32>, vector<1000x16xf32>, vector<1000x96xf32> -> vector<1000x128xf32>
    %swap3A_19 = arith.constant 0 : index
    %swap3A_20 = arith.constant 0 : index
    %swap3A_21 = vector.load %arg6[%swap3A_19, %swap3A_20] : memref<1000x128xf32, #tpu.memory_space<vmem>>, vector<1000x128xf32>
    tpu.vector_store %arg6[%swap3A_19, %swap3A_20], %concatenate3A {strides = array<i32>} : memref<1000x128xf32, #tpu.memory_space<vmem>>, vector<1000x128xf32>,
    return
  }
  func.func @transform_0(%arg0: i32) -> (i32, i32) {
    %c0_i32 = arith.constant 0 : i32
    %c0_i32_0 = arith.constant 0 : i32
    return %arg0, %c0_i32 : i32, i32
  }
  func.func @transform_1(%arg0: i32) -> (i32, i32) {
    %c0_i32 = arith.constant 0 : i32
    %c0_i32_0 = arith.constant 0 : i32
    %c0_i32_1 = arith.constant 0 : i32
    return %c0_i32, %c0_i32_0 : i32, i32
  }
  func.func @transform_2(%arg0: i32) -> (i32, i32) {
    %c0_i32 = arith.constant 0 : i32
    %c0_i32_0 = arith.constant 0 : i32
    %c0_i32_1 = arith.constant 0 : i32
    return %c0_i32, %c0_i32_0 : i32, i32
  }
  func.func @transform_3(%arg0: i32) -> (i32, i32) {
    %c0_i32 = arith.constant 0 : i32
    %c0_i32_0 = arith.constant 0 : i32
    %c0_i32_1 = arith.constant 0 : i32
    return %c0_i32, %c0_i32_0 : i32, i32
  }
  func.func @transform_4(%arg0: i32) -> (i32, i32) {
    %c0_i32 = arith.constant 0 : i32
    %c0_i32_0 = arith.constant 0 : i32
    return %arg0, %c0_i32 : i32, i32
  }
  func.func @transform_5(%arg0: i32) -> (i32, i32) {
    %c0_i32 = arith.constant 0 : i32
    %c0_i32_0 = arith.constant 0 : i32
    return %arg0, %c0_i32 : i32, i32
  }
}

module attributes {stable_mosaic.version = 14 : i64} {
  func.func @_fin_body(%arg0: i32, %arg1: i32, %arg2: memref<1x1000x128xf32, #tpu.memory_space<vmem>>, %arg3: memref<1x1000x128xf32, #tpu.memory_space<vmem>>, %arg4: memref<128x128xf32, #tpu.memory_space<vmem>>, %arg5: memref<1x128xf32, #tpu.memory_space<vmem>>, %arg6: memref<1000x128xf32, #tpu.memory_space<vmem>>) attributes {dimension_semantics = [#tpu.dimension_semantics<arbitrary>, #tpu.dimension_semantics<arbitrary>], iteration_bounds = array<i64: 2, 5>, scalar_prefetch = 0 : i64, scratch_operands = 0 : i64, tpu.core_type = #tpu.core_type<tc>, window_params = [{transform_indices = @transform_0, window_bounds = array<i64: 1, 1000, 128>}, {transform_indices = @transform_1, window_bounds = array<i64: 1, 1000, 128>}, {pipeline_mode = #tpu.pipeline_mode<synchronous>, transform_indices = @transform_2, window_bounds = array<i64: 128, 128>}, {pipeline_mode = #tpu.pipeline_mode<synchronous>, transform_indices = @transform_3, window_bounds = array<i64: 1, 128>}, {transform_indices = @transform_4, window_bounds = array<i64: 1000, 128>}]} {
    %get3A = arith.constant 0 : index
    %get3A_0 = arith.constant 0 : index
    %get3A_1 = arith.constant 0 : index
    %get3A_2 = vector.load %arg2[%get3A, %get3A_0, %get3A_1] : memref<1x1000x128xf32, #tpu.memory_space<vmem>>, vector<1x1000x128xf32>
    %get3A_3 = vector.shape_cast %get3A_2 : vector<1x1000x128xf32> to vector<1000x128xf32>
    %get3A_4 = arith.constant 0 : index
    %get3A_5 = arith.constant 0 : index
    %get3A_6 = arith.constant 0 : index
    %get3A_7 = vector.load %arg3[%get3A_4, %get3A_5, %get3A_6] : memref<1x1000x128xf32, #tpu.memory_space<vmem>>, vector<1x1000x128xf32>
    %get3A_8 = vector.shape_cast %get3A_7 : vector<1x1000x128xf32> to vector<1000x128xf32>
    %get3A_9 = arith.constant 0 : index
    %get3A_10 = arith.constant 0 : index
    %get3A_11 = vector.load %arg4[%get3A_9, %get3A_10] : memref<128x128xf32, #tpu.memory_space<vmem>>, vector<128x128xf32>
    %dot_general3A = arith.constant dense<0.000000e+00> : vector<1000x128xf32>
    %dot_general3A_12 = tpu.matmul %get3A_8, %get3A_11, %dot_general3A {dimension_numbers = #tpu.dot_dimension_numbers<[1], [0], [0], [1], [0, 0, 1, 1], [], []>, transpose_lhs_hint = false} : vector<1000x128xf32>, vector<128x128xf32>, vector<1000x128xf32> -> vector<1000x128xf32>
    %add3A = arith.constant 1.000000e-16 : f32
    %add3A_13 = vector.broadcast %add3A : f32 to vector<1000x128xf32>
    %add3A_14 = arith.addf %dot_general3A_12, %add3A_13 : vector<1000x128xf32>
    %div3A = arith.divf %get3A_3, %add3A_14 : vector<1000x128xf32>
    %get3A_15 = arith.constant 0 : index
    %get3A_16 = arith.constant 0 : index
    %get3A_17 = vector.load %arg5[%get3A_15, %get3A_16] : memref<1x128xf32, #tpu.memory_space<vmem>>, vector<1x128xf32>
    %add3A_18 = vector.broadcast %get3A_17 : vector<1x128xf32> to vector<1000x128xf32>
    %add3A_19 = arith.addf %div3A, %add3A_18 : vector<1000x128xf32>
    %reduce_max3A = arith.constant dense<0xFF800000> : vector<1000xf32>
    %reduce_max3A_20 = vector.multi_reduction <maximumf>, %add3A_19, %reduce_max3A [1] : vector<1000x128xf32> to vector<1000xf32>
    %broadcast_in_dim3A = vector.shape_cast %reduce_max3A_20 : vector<1000xf32> to vector<1000x1xf32>
    %sub3A = vector.broadcast %broadcast_in_dim3A : vector<1000x1xf32> to vector<1000x128xf32>
    %sub3A_21 = arith.subf %add3A_19, %sub3A : vector<1000x128xf32>
    %exp3A = math.exp %sub3A_21 : vector<1000x128xf32>
    %reduce_sum3A = arith.constant dense<0.000000e+00> : vector<1000xf32>
    %reduce_sum3A_22 = vector.multi_reduction <add>, %exp3A, %reduce_sum3A [1] : vector<1000x128xf32> to vector<1000xf32>
    %broadcast_in_dim3A_23 = vector.shape_cast %reduce_sum3A_22 : vector<1000xf32> to vector<1000x1xf32>
    %log3A = math.log %broadcast_in_dim3A_23 : vector<1000x1xf32>
    %sub3A_24 = vector.broadcast %log3A : vector<1000x1xf32> to vector<1000x128xf32>
    %sub3A_25 = arith.subf %sub3A_21, %sub3A_24 : vector<1000x128xf32>
    %swap3A = arith.constant 0 : index
    %swap3A_26 = arith.constant 0 : index
    %swap3A_27 = vector.load %arg6[%swap3A, %swap3A_26] : memref<1000x128xf32, #tpu.memory_space<vmem>>, vector<1000x128xf32>
    tpu.vector_store %arg6[%swap3A, %swap3A_26], %sub3A_25 {strides = array<i32>} : memref<1000x128xf32, #tpu.memory_space<vmem>>, vector<1000x128xf32>,
    return
  }
  func.func @transform_0(%arg0: i32, %arg1: i32) -> (i32, i32, i32) {
    %c0_i32 = arith.constant 0 : i32
    %c0_i32_0 = arith.constant 0 : i32
    return %arg0, %arg1, %c0_i32 : i32, i32, i32
  }
  func.func @transform_1(%arg0: i32, %arg1: i32) -> (i32, i32, i32) {
    %c0_i32 = arith.constant 0 : i32
    %c0_i32_0 = arith.constant 0 : i32
    return %arg0, %arg1, %c0_i32 : i32, i32, i32
  }
  func.func @transform_2(%arg0: i32, %arg1: i32) -> (i32, i32) {
    %c0_i32 = arith.constant 0 : i32
    %c0_i32_0 = arith.constant 0 : i32
    %c0_i32_1 = arith.constant 0 : i32
    return %c0_i32, %c0_i32_0 : i32, i32
  }
  func.func @transform_3(%arg0: i32, %arg1: i32) -> (i32, i32) {
    %c0_i32 = arith.constant 0 : i32
    %c0_i32_0 = arith.constant 0 : i32
    %c0_i32_1 = arith.constant 0 : i32
    return %c0_i32, %c0_i32_0 : i32, i32
  }
  func.func @transform_4(%arg0: i32, %arg1: i32) -> (i32, i32) {
    %mul3A = arith.constant 5 : i32
    %mul3A_0 = arith.muli %arg0, %mul3A : i32
    %add3A = arith.addi %mul3A_0, %arg1 : i32
    %c0_i32 = arith.constant 0 : i32
    %c0_i32_1 = arith.constant 0 : i32
    return %add3A, %c0_i32 : i32, i32
  }
}

</mosaic_0001>

<sc_bundles>
// kernel: kernel.6.cloned.1.call-start
scs
__scs_entry_jumppad:
0x0: {  	(pc) =	sbr.rel $0x88, $3  }
0x1: {  	(tag) =	ssettag $0x0;
	lr =	simm.s32 $0x1  }
0x2: {  	[smem:$0x3F9B] =	sst lr;
	_ =	strace $0xD0000000  }
0x3: {  	_ = 	snop  }
0x4: {  	_ = 	snop  }
0x5: {  	_ = 	snop  }
0x6: {  	_ = 	snop  }
0x7: {  	_ = 	snop  }
__scs_overlays_trampoline_lowered:
0x8: {  	[smem:$0x3FAA] =	sst s0  }
0x9: {  	[smem:$0x3FAB] =	sst s1  }
0xa: {  	[smem:$0x3FAC] =	sst s2  }
0xb: {  	[smem:$0x3FAD] =	sst s3  }
0xc: {  	[smem:$0x3FAE] =	sst s4  }
0xd: {  	[smem:$0x3FAF] =	sst s5  }
0xe: {  	[smem:$0x3FB0] =	sst s6  }
0xf: {  	[smem:$0x3FB1] =	sst s7  }
0x10: {  	[smem:$0x3FB2] =	sst s8  }
0x11: {  	[smem:$0x3FB3] =	sst s9;
	s0 =	simm.s32 @!p0 $0x0  }
0x12: {  	s1 =	sld [smem:$0x3F99];
	s0 =	simm.s32 @p0 $0x1  }
0x13: {  	[smem:$0x3FB4] =	sst s0;
	s0 =	simm.s32 @!p1 $0x0  }
0x14: {  	s2 =	sld [smem:$0x3F98];
	s0 =	simm.s32 @p1 $0x1  }
0x15: {  	[smem:$0x3FB5] =	sst s0;
	s0 =	simm.s32 @!p2 $0x0  }
0x16: {  	s3 =	sld [smem:$0x3FDB];
	s0 =	simm.s32 @p2 $0x1  }
0x17: {  	s4 =	simm.s32 $0x1BF5;
	[smem:$0x3FB7] =	sst s0  }
0x18: {  	s0 =	sld [smem:$0x3F9A];
	_ =	swait.ge [sflag:s4], $0x0  }
0x19: {  	s7 =	sld [smem:$0x3F9B]  }
0x1a: {  	s8 =	sadd.s32 $0xFFFFE003, lr  }
0x1b: {  	s9 =	sadd.s32 $0xFFFFFEF7, lr;
	s5 =	simm.s32 $0xFFFFFFFF;
	p2 =	slt.u32 s8, $0xFFFFF086  }
0x1c: {  	p1 =	slt.u32 s9, $0xF7A;
	s5 =	simm.s32 @!p2 $0x0  }
0x1d: {  	s5 =	simm.s32 @p1 $0x1;
	p0 =	seq.s32 s7, s2  }
0x1e: {  	s7 =	smul.u32 @!p0 $0xF7A, s2;
	p2 =	seq.s32 @!p0 s5, $0x0  }
0x1f: {  	s9 =	smul.u32 $0xF7A, s1;
	s8 =	simm.s32 @!p0 $0x1BF5;
	p2 =	por !p2, p0  }
0x20: {  	[sflag:s8] =	ssyncset.s32 @!p0 $0xFFFFF086;
	s6 =	sadd.s32 @!p0 s3, s7;
	s7 =	simm.s32 @!p0 $0x108  }
0x21: {  	s3 =	sadd.s32 s3, s9;
	s6 =	sadd.s32 @!p0 $0x88, s6;
	s7 =	simm.s32 @p2 $0x1082  }
0x22: {  	[simem:s7], [sflag:s8] =	dma.local @!p0 [hbm:s6], $0xF7A  }
0x23: {  	s9 =	sor.u32 $0xD0000000, s2;
	s6 =	simm.s32 $0x108;
	_ =	swait.ge @!p0 [sflag:s8], $0x0  }
0x24: {  	s3 =	sadd.s32 $0x88, s3;
	s6 =	simm.s32 @!p1 $0x1082;
	[sflag:s4] =	ssyncset.s32 $0xFFFFF086  }
0x25: {  	[simem:s6], [sflag:s4] =	dma.local [hbm:s3], $0xF7A  }
0x26: {  	[smem:$0x3F9B] =	sst s1;
	(tag) =	ssettag s2;
	_ =	strace s9  }
0x27: {  	s1 =	sld [smem:$0x3FAB]  }
0x28: {  	s2 =	sld [smem:$0x3FAC]  }
0x29: {  	s4 =	sld [smem:$0x3FAE]  }
0x2a: {  	p0 =	seq.s32 s5, $0x0;
	s5 =	sld [smem:$0x3FAF]  }
0x2b: {  	s6 =	sld [smem:$0x3FB0]  }
0x2c: {  	s7 =	sld [smem:$0x3FB1]  }
0x2d: {  	s3 =	simm.s32 $0x108;
	s8 =	sld [smem:$0x3FB2]  }
0x2e: {  	s3 =	simm.s32 @!p0 $0x1082;
	s9 =	sld [smem:$0x3FB3]  }
0x2f: {  	lr =	sadd.s32 s0, s3;
	s0 =	sld [smem:$0x3FAA]  }
0x30: {  	s3 =	sld [smem:$0x3FAD]  }
0x31: {  	[smem:$0x3FB6] =	sst s10  }
0x32: {  	s10 =	sld [smem:$0x3FB4];
	_ =	sdelay $0x3  }
0x33: {  	p0 =	seq.s32 s10, $0x1;
	s10 =	sld [smem:$0x3FB6];
	_ =	sdelay $0x3  }
0x34: {  	[smem:$0x3FB6] =	sst s10  }
0x35: {  	s10 =	sld [smem:$0x3FB5];
	_ =	sdelay $0x3  }
0x36: {  	p1 =	seq.s32 s10, $0x1;
	s10 =	sld [smem:$0x3FB6];
	_ =	sdelay $0x3  }
0x37: {  	[smem:$0x3FB6] =	sst s10  }
0x38: {  	s10 =	sld [smem:$0x3FB7]  }
0x39: {  	_ = 	snop;
	(pc) =	sbr.ind lr, $3  }
0x3a: {  	_ = 	snop  }
0x3b: {  	_ = 	snop  }
0x3c: {  	p2 =	seq.s32 s10, $0x1;
	s10 =	sld [smem:$0x3FB6]  }
0x3d: {  	_ =	shalt  }
0x3e: {  	_ =	shalt  }
0x3f: {  	_ =	shalt  }
0x40: {  	_ =	shalt  }
0x41: {  	_ =	shalt  }
0x42: {  	_ =	shalt  }
0x43: {  	_ =	shalt  }
0x44: {  	_ =	shalt  }
0x45: {  	_ =	shalt  }
0x46: {  	_ =	shalt  }
0x47: {  	_ =	shalt  }
0x48: {  	_ =	shalt  }
0x49: {  	_ =	shalt  }
0x4a: {  	_ =	shalt  }
0x4b: {  	_ =	shalt  }
0x4c: {  	_ =	shalt  }
0x4d: {  	_ =	shalt  }
0x4e: {  	_ =	shalt  }
0x4f: {  	_ =	shalt  }
0x50: {  	_ =	shalt  }
0x51: {  	_ =	shalt  }
0x52: {  	_ =	shalt  }
0x53: {  	_ =	shalt  }
0x54: {  	_ =	shalt  }
0x55: {  	_ =	shalt  }
0x56: {  	_ =	shalt  }
0x57: {  	_ =	shalt  }
0x58: {  	_ =	shalt  }
0x59: {  	_ =	shalt  }
0x5a: {  	_ =	shalt  }
0x5b: {  	_ =	shalt  }
0x5c: {  	_ =	shalt  }
0x5d: {  	_ =	shalt  }
0x5e: {  	_ =	shalt  }
0x5f: {  	_ =	shalt  }
0x60: {  	_ =	shalt  }
0x61: {  	_ =	shalt  }
0x62: {  	_ =	shalt  }
0x63: {  	_ =	shalt  }
0x64: {  	_ =	shalt  }
0x65: {  	_ =	shalt  }
0x66: {  	_ =	shalt  }
0x67: {  	_ =	shalt  }
0x68: {  	_ =	shalt  }
0x69: {  	_ =	shalt  }
0x6a: {  	_ =	shalt  }
0x6b: {  	_ =	shalt  }
0x6c: {  	_ =	shalt  }
0x6d: {  	_ =	shalt  }
0x6e: {  	_ =	shalt  }
0x6f: {  	_ =	shalt  }
0x70: {  	_ =	shalt  }
0x71: {  	_ =	shalt  }
0x72: {  	_ =	shalt  }
0x73: {  	_ =	shalt  }
0x74: {  	_ =	shalt  }
0x75: {  	_ =	shalt  }
0x76: {  	_ =	shalt  }
0x77: {  	_ =	shalt  }
0x78: {  	_ =	shalt  }
0x79: {  	_ =	shalt  }
0x7a: {  	_ =	shalt  }
0x7b: {  	_ =	shalt  }
0x7c: {  	_ =	shalt  }
0x7d: {  	_ =	shalt  }
0x7e: {  	_ =	shalt  }
0x7f: {  	_ =	shalt  }
0x80: {  	_ =	shalt  }
0x81: {  	_ =	shalt  }
0x82: {  	_ =	shalt  }
0x83: {  	_ =	shalt  }
0x84: {  	_ =	shalt  }
0x85: {  	_ =	shalt  }
0x86: {  	_ =	shalt  }
0x87: {  	_ =	shalt  }
.Lfunc_end0:
.L_simem_size_0:
called_computation_lowered:
.L_overlay_start_0:
0x88: {  	s2 =	sld [smem:$0x3FD9]  }
0x89: {  	s3 =	sld [smem:$0x3FFE];
	_ =	sdelay $0x1  }
0x8a: {  	s1 =	srdreg.scid  }
0x8b: {  	s0 =	sand.u32 $0x1, s1  }
0x8c: {  	s17 =	sshll.u32 s0, $0xA;
	s2 =	sadd.s32 s3, s2  }
0x8d: {  	s2 =	sadd.s32 s2, s17  }
0x8e: {  	[smem:$0x3FC2] =	sst s2  }
0x8f: {  	_ = 	snop  }
0x90: {  	s2 =	sld [smem:$0x3FD0];
	(tm) =	ssettm $0x1  }
0x91: {  	s18 =	sld [smem:$0x3FFB];
	_ =	sdelay $0x3  }
0x92: {  	_ =	strace s18  }
0x93: {  	s3 =	sld [smem:$0x3FFC];
	_ =	sdelay $0x3  }
0x94: {  	_ =	strace s3  }
0x95: {  	s3 =	sld [smem:$0x3FFD];
	_ =	sdelay $0x3  }
0x96: {  	_ =	strace s3  }
0x97: {  	_ =	strace $0x8FFFFFFF  }
0x98: {  	s19 =	sld [smem:$0x3FDB];
	_ =	sdelay $0x1  }
0x99: {  	s4 =	simm.s32 $_scs_section_size  }
0x9a: {  	s5 =	simm.s32 $_size__tile_overlayer_lowered;
	s6 =	simm.s32 $_tile_overlayer_lowered  }
0x9b: {  	s22 =	simm.s32 $0x1BFF;
	s21 =	sshll.u32 s6, $0x1;
	s3 =	sadd.s32 s4, s19  }
0x9c: {  	s7 =	simm.s32 $0x0;
	s20 =	sshll.u32 s5, $0x1;
	s5 =	sadd.s32 s21, s3  }
0x9d: {  	[timem:s7], [sflag:s22] =	dma.local [hbm:s5], s20  }
0x9e: {  	_ =	swait.ge [sflag:s22], s20  }
0x9f: {  	s4 =	ssub.s32 $0x0, s20;
	[sflag:s22] =	ssyncset.done $0x0  }
0xa0: {  	[sflag:s22] =	ssyncadd.s32 s4;
	_ =	sdelay $0x1  }
0xa1: {  	s23 =	simm.s32 $0x1B8B  }
0xa2: {  	_ =	swait.ge [sflag:s23], $0x1  }
0xa3: {  	[sflag:s23] =	ssyncset.done $0x0  }
0xa4: {  	s25 =	simm.s32 $0x1B8E;
	s24 =	sld [smem:$0x3FFE];
	[sflag:s23] =	ssyncadd.s32 $0xFFFFFFFF  }
0xa5: {  	s26 =	simm.s32 $execute0_lowered;
	[smem:$0x3FD2] =	sst s25  }
0xa6: {  	s5 =	sshll.u32 s26, $0x1;
	_ =	strace $0x80000046;
	[dreg:$0x1] =	wrdreg $0xFFFFFFFF  }
0xa7: {  	s28 =	simm.s32 $_size_execute0_lowered;
	s3 =	sadd.s32 s3, s5;
	[dreg:$0x0] =	wrdreg $0x0  }
0xa8: {  	s5 =	sshll.u32 s28, $0x1;
	[dreg:$0x2] =	wrdreg s3  }
0xa9: {  	[dreg:$0x3] =	wrdreg s5  }
0xaa: {  	[dreg:$0x4] =	wrdreg $0xC0  }
0xab: {  	_ =	task [dreg:s7], $0x5FFFF  }
0xac: {  	[dreg:$0x1] =	wrdreg $0xFFFFFFFF  }
0xad: {  	[dreg:$0x0] =	wrdreg $0x60  }
0xae: {  	[dreg:$0x2] =	wrdreg s24  }
0xaf: {  	[dreg:$0x3] =	wrdreg s2  }
0xb0: {  	[dreg:$0x4] =	wrdreg $0xF0800  }
0xb1: {  	[dreg:$0x5] =	wrdreg $0x9  }
0xb2: {  	_ =	task.clear_ibuf [dreg:s7], $0x6FFFF;
	_ =	strace $0x90000046  }
0xb3: {  	s29 =	simm.s32 $0x9;
	_ =	strace $0x80000048  }
0xb4: {  	_ =	swait.ge [sflag:s29], $0x1  }
0xb5: {  	[sflag:s29] =	ssyncadd.s32 $0xFFFFFFFF  }
0xb6: {  	_ =	strace $0x90000048  }
0xb7: {  	_ =	sfence  }
0xb8: {  	s30 =	sld [smem:$0x0];
	_ =	sdelay $0x2  }
0xb9: {  	s31 =	sshll.u32 s1, $0xD;
	s1 =	sshrl.u32 s1, $0x2  }
0xba: {  	s3 =	sand.u32 $0x4000, s31;
	s1 =	sadd.s32 s1, s30  }
0xbb: {  	s0 =	sor.u32 s3, s0;
	s1 =	sshll.u32 s1, $0x11  }
0xbc: {  	s0 =	sor.u32 s1, s0  }
0xbd: {  	s0 =	sadd.s32 $0x8F2B, s0  }
0xbe: {  	[sflag:s0] =	ssyncadd.remote.s32 $0x1  }
0xbf: {  	_ =	sfence.sel $0xFFFF  }
0xc0: {  	[dreg:$0x0] =	wrdreg $0xFFFFFFFF;
	(pc) =	sbr.abs _section_cstart, $3  }
0xc1: {  	[dreg:$0x1] =	wrdreg $0xFFFFFFFF  }
0xc2: {  	_ =	task.clear_ibuf [dreg:s7], $0x2FFFF;
	_ =	strace $0x9FFFFFFF  }
0xc3: {  	(tm) =	ssettm $0x7FFFFFFF  }
tec
execute0_lowered:
.L_overlay_start_1:
0x0: {  	(tag) =	ssettag $0x1  }
0x1: {  	s0 =	rddreg [dreg:$0x0]  }
0x2: {  	s2 =	rddreg [dreg:$0x1]  }
0x3: {  	s1 =	rddreg [dreg:$0x2];
	s3 =	simm.s32 $0x0;
	s4 =	srdreg.scid  }
0x4: {  	s10 =	stileid.u32;
	s15 =	simm.s32 $0x2;
	s16 =	simm.s32 $0xC880  }
0x5: {  	s17 =	simm.s32 $0x50;
	s18 =	simm.s32 $0x4E80;
	s19 =	simm.s32 $0x5080  }
0x6: {  	s20 =	simm.s32 $0x1;
	s21 =	simm.s32 $0x4F00;
	s22 =	simm.s32 $0x7880  }
0x7: {  	s23 =	simm.s32 $0x4F80;
	s25 =	simm.s32 $0x5000;
	s6 =	smul.u32 $0x9C4, s10  }
0x8: {  	[smem:$0x7FF] =	sst s3;
	s5 =	sand.u32 $0x1, s4;
	s8 =	smul.u32 $0x28000, s10  }
0x9: {  	s4 =	sadd.s32 $0x1400, s0;
	s0 =	sadd.s32 $0x4F600, s0;
	s10 =	smul.u32 $0xA000, s10  }
0xa: {  	s24 =	smul.u32 $0xFFFFEC78, s5;
	_ =	strace $0x80000047;
	s7 =	ssub.s32 $0x2, s5  }
0xb: {  	s11 =	smul.u32 $0xA0000, s5;
	s9 =	sshrl.u32 s7, $0x1;
	s26 =	sshrl.u32 s8, $0x2  }
0xc: {  	s5 =	sadd.s32 s2, s6;
	s28 =	sadd.s32 $0x2800, s10;
	s12 =	sadd.s32 $0x5000, s10  }
0xd: {  	s13 =	sadd.s32 $0x7800, s10;
	s14 =	ssub.s32 s7, s9;
	s6 =	sadd.s32 s26, s1  }
0xe: {  	s7 =	sadd.s32 s28, s1;
	s29 =	sadd.s32 s10, s11;
	s8 =	sadd.s32 s12, s1  }
0xf: {  	s9 =	sadd.s32 s13, s1;
	s2 =	sadd.s32 s11, s28;
	s12 =	sadd.s32 s11, s12  }
0x10: {  	s13 =	sadd.s32 s11, s13;
	v0 =	vmov s24;
	s24 =	simm.s32 $0xA080;
	s26 =	simm.s32 $0x0  }
0x11: {  	s30 =	sshrl.u32 s29, $0x3;
	s2 =	sshrl.u32 s2, $0x3;
	s31 =	sshrl.u32 s12, $0x3  }
0x12: {  	s13 =	sshrl.u32 s13, $0x3;
	s14 =	smax.u32 s14, $0x1;
	s10 =	sadd.s32 s0, s30  }
0x13: {  	v1 =	vimm.f32 $0.0e+00;
	s11 =	sadd.s32 s0, s2;
	s12 =	sadd.s32 s0, s31;
	s13 =	sadd.s32 s0, s13  }
.LBB2_1:
0x14: {  	[tilespmem:s3], [sflag:$0x2] =	stream.linear.gather [hbm4b:s5+s3], $0x4E20, $0x38;
	[tilespmem:$0x19080] =	vst v63  }
0x15: {  	_ =	swait.ge [sflag:s15], $0x4E20  }
0x16: {  	[sflag:s15] =	ssyncset.done $0x0  }
0x17: {  	s0 =	simm.s32 $0x0;
	s2 =	simm.s32 $0x200;
	[sflag:s15] =	ssyncadd.s32 $0xFFFFB1E0  }
.LBB2_2:
0x18: {  	p0 =	sne.s32 s2, $0x9E00;
	[tilespmem:s0+$0xC8F0] =	vst v1  }
0x19: {  	[tilespmem:s0+$0xC880] =	vst v1  }
0x1a: {  	[tilespmem:s0+$0xC890] =	vst v1  }
.Ltmp0:
0x1b: {  	[tilespmem:s0+$0xC8A0] =	vst v1;
	(pc) =	sbr.rel @p0 .LBB2_2-.Ltmp0, $4  }
0x1c: {  	[tilespmem:s0+$0xC8B0] =	vst v1  }
0x1d: {  	[tilespmem:s0+$0xC8C0] =	vst v1  }
0x1e: {  	[tilespmem:s0+$0xC8D0] =	vst v1  }
0x1f: {  	[tilespmem:s0+$0xC8E0] =	vst v1;
	s0 =	sshra.s32 s2, $0x2;
	s2 =	sadd.s32 $0x200, s2  }
0x20: {  	[tilespmem:s0+$0xC8F0] =	vst v1  }
0x21: {  	[tilespmem:s0+$0xC880] =	vst v1  }
0x22: {  	[tilespmem:s0+$0xC890] =	vst v1  }
0x23: {  	[tilespmem:s0+$0xC8A0] =	vst v1  }
0x24: {  	[tilespmem:s0+$0xC8B0] =	vst v1  }
0x25: {  	[tilespmem:s0+$0xC8C0] =	vst v1  }
0x26: {  	[tilespmem:s0+$0xC8D0] =	vst v1  }
0x27: {  	[tilespmem:s0+$0xC8E0] =	vst v1  }
0x28: {  	[spmem:s6] =	stream.linear.scatter [tilespmem:s16], [sflag:$0x2], $0x2800, $0x38;
	[tilespmem:$0x19080] =	vst v63  }
0x29: {  	_ =	swait.ge [sflag:s15], $0x2800  }
0x2a: {  	[sflag:s15] =	ssyncset.done $0x0  }
0x2b: {  	[sflag:s15] =	ssyncadd.s32 $0xFFFFD800  }
0x2c: {  	[spmem:s7] =	stream.linear.scatter [tilespmem:s16], [sflag:$0x2], $0x2800, $0x38;
	[tilespmem:$0x19080] =	vst v63  }
0x2d: {  	_ =	swait.ge [sflag:s15], $0x2800  }
0x2e: {  	[sflag:s15] =	ssyncset.done $0x0  }
0x2f: {  	[sflag:s15] =	ssyncadd.s32 $0xFFFFD800  }
0x30: {  	[spmem:s8] =	stream.linear.scatter [tilespmem:s16], [sflag:$0x2], $0x2800, $0x38;
	[tilespmem:$0x19080] =	vst v63  }
0x31: {  	_ =	swait.ge [sflag:s15], $0x2800  }
0x32: {  	[sflag:s15] =	ssyncset.done $0x0  }
0x33: {  	[sflag:s15] =	ssyncadd.s32 $0xFFFFD800  }
0x34: {  	[spmem:s9] =	stream.linear.scatter [tilespmem:s16], [sflag:$0x2], $0x2800, $0x38;
	[tilespmem:$0x19080] =	vst v63  }
0x35: {  	_ =	swait.ge [sflag:s15], $0x2800  }
0x36: {  	[sflag:s15] =	ssyncset.done $0x0  }
0x37: {  	[sflag:s15] =	ssyncadd.s32 $0xFFFFD800  }
0x38: {  	s28 =	simm.s32 $0x0;
	[bflag:$0x0] =	sbarrier.arrive $0xFFFF  }
.LBB2_4:
0x39: {  	s0 =	smul.u32 $0x140, s28;
	_ =	sdelay $0x1  }
0x3a: {  	s0 =	sshra.s32 s0, $0x2  }
0x3b: {  	v2 =	vld [tilespmem:s0+$0x0];
	_ =	sdelay $0x4  }
0x3c: {  	v3 =	vshrl.u32 v2, $0xD  }
0x3d: {  	v2 =	vand.u32 $0x3FFF, v2;
	v4 =	vand.u32 $0x7FFFE, v3  }
0x3e: {  	v3 =	vor.u32 $0x1, v3;
	[tilespmem:$0x4E80] =	vst v4;
	v4 =	vshll.u32 v2, $0x1  }
0x3f: {  	[tilespmem:$0x4F00] =	vst v3;
	v2 =	vadd.s32 v0, v2;
	v3 =	vor.u32 $0x1, v4  }
0x40: {  	v2 =	vmin.u32 v2, $0x1388;
	[tilespmem:$0x4F80] =	vst v3  }
0x41: {  	[tilespmem:$0x5000] =	vst v2  }
0x42: {  	v2 =	vld [tilespmem:s0+$0x10];
	_ =	sdelay $0x4  }
0x43: {  	v3 =	vshrl.u32 v2, $0xD  }
0x44: {  	v2 =	vand.u32 $0x3FFF, v2;
	v4 =	vand.u32 $0x7FFFE, v3  }
0x45: {  	v3 =	vor.u32 $0x1, v3;
	[tilespmem:$0x4E90] =	vst v4;
	v4 =	vshll.u32 v2, $0x1  }
0x46: {  	[tilespmem:$0x4F10] =	vst v3;
	v2 =	vadd.s32 v0, v2;
	v3 =	vor.u32 $0x1, v4  }
0x47: {  	v2 =	vmin.u32 v2, $0x1388;
	[tilespmem:$0x4F90] =	vst v3  }
0x48: {  	[tilespmem:$0x5010] =	vst v2  }
0x49: {  	v2 =	vld [tilespmem:s0+$0x20];
	_ =	sdelay $0x4  }
0x4a: {  	v3 =	vshrl.u32 v2, $0xD  }
0x4b: {  	v2 =	vand.u32 $0x3FFF, v2;
	v4 =	vand.u32 $0x7FFFE, v3  }
0x4c: {  	v3 =	vor.u32 $0x1, v3;
	[tilespmem:$0x4EA0] =	vst v4;
	v4 =	vshll.u32 v2, $0x1  }
0x4d: {  	[tilespmem:$0x4F20] =	vst v3;
	v2 =	vadd.s32 v0, v2;
	v3 =	vor.u32 $0x1, v4  }
0x4e: {  	v2 =	vmin.u32 v2, $0x1388;
	[tilespmem:$0x4FA0] =	vst v3  }
0x4f: {  	[tilespmem:$0x5020] =	vst v2  }
0x50: {  	v2 =	vld [tilespmem:s0+$0x30];
	_ =	sdelay $0x4  }
0x51: {  	v3 =	vshrl.u32 v2, $0xD  }
0x52: {  	v2 =	vand.u32 $0x3FFF, v2;
	v4 =	vand.u32 $0x7FFFE, v3  }
0x53: {  	v3 =	vor.u32 $0x1, v3;
	[tilespmem:$0x4EB0] =	vst v4;
	v4 =	vshll.u32 v2, $0x1  }
0x54: {  	[tilespmem:$0x4F30] =	vst v3;
	v2 =	vadd.s32 v0, v2;
	v3 =	vor.u32 $0x1, v4  }
0x55: {  	v2 =	vmin.u32 v2, $0x1388;
	[tilespmem:$0x4FB0] =	vst v3  }
0x56: {  	[tilespmem:$0x5030] =	vst v2  }
0x57: {  	v2 =	vld [tilespmem:s0+$0x40];
	_ =	sdelay $0x4  }
0x58: {  	v3 =	vshrl.u32 v2, $0xD  }
0x59: {  	v2 =	vand.u32 $0x3FFF, v2;
	v4 =	vand.u32 $0x7FFFE, v3  }
0x5a: {  	v3 =	vor.u32 $0x1, v3;
	[tilespmem:$0x4EC0] =	vst v4;
	v4 =	vshll.u32 v2, $0x1  }
0x5b: {  	[tilespmem:$0x4F40] =	vst v3;
	v2 =	vadd.s32 v0, v2;
	v3 =	vor.u32 $0x1, v4  }
0x5c: {  	v2 =	vmin.u32 v2, $0x1388;
	[tilespmem:$0x4FC0] =	vst v3  }
0x5d: {  	[tilespmem:$0x5040] =	vst v2  }
0x5e: {  	[tilespmem:s19], [sflag:$0x1] =	stream.indirect.gather [hbm4b:s4+s17], $0x80, s18, s17, $0xb8;
	[tilespmem:$0x19080] =	vst v63  }
0x5f: {  	_ =	swait.ge [sflag:s20], $0x2800  }
0x60: {  	[sflag:s20] =	ssyncset.done $0x0  }
0x61: {  	[sflag:s20] =	ssyncadd.s32 $0xFFFFD800  }
0x62: {  	[tilespmem:s22], [sflag:$0x1] =	stream.indirect.gather [hbm4b:s4+s17], $0x80, s21, s17, $0xb8;
	[tilespmem:$0x19080] =	vst v63  }
0x63: {  	_ =	swait.ge [sflag:s20], $0x2800  }
0x64: {  	[sflag:s20] =	ssyncset.done $0x0  }
0x65: {  	[sflag:s20] =	ssyncadd.s32 $0xFFFFD800  }
0x66: {  	[tilespmem:s24], [sflag:$0x1] =	stream.indirect.gather [hbm4b:s4+s17], $0x80, s23, s17, $0xb8;
	[tilespmem:$0x19080] =	vst v63  }
0x67: {  	_ =	swait.ge [sflag:s20], $0x2800  }
0x68: {  	[sflag:s20] =	ssyncset.done $0x0  }
0x69: {  	s0 =	simm.s32 $0x0;
	[sflag:s20] =	ssyncadd.s32 $0xFFFFD800  }
0x6a: {  	v2 =	vld [tilespmem:s0+$0x7880]  }
0x6b: {  	v3 =	vld [tilespmem:s0+$0xA090];
	_ =	sdelay $0x1  }
0x6c: {  	v18 =	vld [tilespmem:s0+$0x5080]  }
0x6d: {  	v19 =	vld [tilespmem:s0+$0x5090]  }
0x6e: {  	v22 =	vld [tilespmem:s0+$0x50A0]  }
0x6f: {  	v24 =	vld [tilespmem:s0+$0x50B0];
	v2 =	vadd.f32 v3, v2  }
0x70: {  	v27 =	vld [tilespmem:s0+$0x50C0]  }
0x71: {  	v17 =	vld [tilespmem:s0+$0x50D0];
	v3 =	vmul.f32 $2.000000030e-01, v2  }
0x72: {  	s30 =	simm.s32 $0x80;
	v16 =	vld [tilespmem:s0+$0x50E0]  }
0x73: {  	v7 =	vld [tilespmem:s30+$0x7880];
	v2 =	vmax.f32 v2, v3  }
0x74: {  	v3 =	vld [tilespmem:s30+$0xA090];
	v2 =	vmul.f32 $1.442695020e+00, v2  }
0x75: {  	v9 =	vld [tilespmem:s30+$0x5080]  }
0x76: {  	v8 =	vld [tilespmem:s30+$0x5090];
	(erf) = vpow2.f32 v2  }
0x77: {  	v10 =	vld [tilespmem:s30+$0x50A0]  }
0x78: {  	s29 =	simm.s32 $0x100;
	v6 =	vld [tilespmem:s30+$0x50B0]  }
0x79: {  	v15 =	vld [tilespmem:s29+$0x7880];
	v2 =	vadd.f32 v3, v7  }
0x7a: {  	v20 =	vld [tilespmem:s29+$0xA090]  }
0x7b: {  	v5 =	vld [tilespmem:s30+$0x50C0];
	v3 =	vmul.f32 $2.000000030e-01, v2  }
0x7c: {  	v4 =	vld [tilespmem:s30+$0x50D0]  }
0x7d: {  	v12 =	vld [tilespmem:s0+$0x50F0];
	v3 =	vmax.f32 v2, v3  }
0x7e: {  	v11 =	vld [tilespmem:s29+$0x50A0];
	v13 =	vmul.f32 $1.442695020e+00, v3  }
0x7f: {  	v14 =	vld [tilespmem:s29+$0x50B0];
	v29 =	vadd.f32 v20, v15;
	v23 =	vpop (erf)  }
0x80: {  	v7 =	vld [tilespmem:s30+$0x50E0];
	(erf) = vpow2.f32 v13;
	v21 =	vbroadcast v23, $0x7  }
0x81: {  	v32 =	vmul.f32 $2.000000030e-01, v29;
	v2 =	vld [tilespmem:s29+$0x5080];
	v25 =	vbroadcast v23, $0x0  }
0x82: {  	v3 =	vld [tilespmem:s29+$0x5090];
	v26 =	vbroadcast v23, $0x1;
	v21 =	vmul.f32 v12, v21  }
0x83: {  	v13 =	vld [tilespmem:s29+$0x50D0];
	v28 =	vbroadcast v23, $0x2;
	v30 =	vbroadcast v23, $0x3  }
0x84: {  	v31 =	vbroadcast v23, $0x4;
	v20 =	vbroadcast v23, $0x6;
	v12 =	vld [tilespmem:s29+$0x50C0];
	[tilespmem:s0+$0xC8F0] =	vst v21  }
0x85: {  	v33 =	vmul.f32 v25, v18;
	v25 =	vmul.f32 v26, v19;
	v15 =	vld [tilespmem:s29+$0x50E0]  }
0x86: {  	s31 =	simm.s32 $0x180;
	v24 =	vmul.f32 v24, v30;
	v21 =	vbroadcast v23, $0x5;
	v18 =	vld [tilespmem:s30+$0x50F0]  }
0x87: {  	s2 =	simm.s32 $0x800;
	v26 =	vmax.f32 v29, v32;
	v23 =	vmul.f32 v28, v22;
	v22 =	vmul.f32 v27, v31;
	v19 =	vld [tilespmem:s31+$0x7880];
	[tilespmem:s0+$0xC880] =	vst v33  }
.LBB2_5:
0x88: {  	p0 =	sne.s32 s2, $0x9E00;
	v27 =	vld [tilespmem:s31+$0xA090];
	v26 =	vmul.f32 $1.442695020e+00, v26;
	[tilespmem:s0+$0xC890] =	vst v25;
	v21 =	vmul.f32 v17, v21;
	v28 =	vmovc v11;
	v29 =	vmovc v6;
	v6 =	vmov v14  }
0x89: {  	v20 =	vmul.f32 v16, v20;
	v31 =	vmov v5;
	v5 =	vmov v12;
	v25 =	vld [tilespmem:s31+$0x5080];
	v30 =	vpop (erf);
	[tilespmem:s0+$0xC8A0] =	vst v23  }
0x8a: {  	v17 =	vmovc v4;
	v16 =	vmovc v7;
	v4 =	vmov v13;
	v32 =	vld [tilespmem:s31+$0x5090];
	(erf) = vpow2.f32 v26;
	v12 =	vbroadcast v30, $0x7;
	[tilespmem:s0+$0xC8B0] =	vst v24  }
0x8b: {  	v23 =	vbroadcast v30, $0x0;
	v24 =	vbroadcast v30, $0x1;
	v7 =	vmov v15;
	v11 =	vld [tilespmem:s31+$0x50A0];
	[tilespmem:s0+$0xC8C0] =	vst v22  }
0x8c: {  	v22 =	vbroadcast v30, $0x2;
	v14 =	vld [tilespmem:s31+$0x50B0];
	v15 =	vmul.f32 v18, v12;
	[tilespmem:s0+$0xC8D0] =	vst v21  }
.Ltmp1:
0x8d: {  	v33 =	vbroadcast v30, $0x4;
	v26 =	vadd.f32 v27, v19;
	v12 =	vld [tilespmem:s31+$0x50C0];
	v27 =	vbroadcast v30, $0x3;
	[tilespmem:s0+$0xC8E0] =	vst v20;
	s0 =	smov.u32 s30;
	s30 =	smov.u32 s29;
	(pc) =	sbr.rel @p0 .LBB2_5-.Ltmp1, $4  }
0x8e: {  	v21 =	vbroadcast v30, $0x5;
	v20 =	vbroadcast v30, $0x6;
	s29 =	smov.u32 s31;
	v13 =	vld [tilespmem:s31+$0x50D0];
	[tilespmem:s0+$0xC8F0] =	vst v15  }
0x8f: {  	v34 =	vmul.f32 v23, v9;
	v9 =	vmovc v2;
	v2 =	vmov v25;
	v30 =	vmul.f32 $2.000000030e-01, v26;
	v15 =	vld [tilespmem:s29+$0x50E0]  }
0x90: {  	v23 =	vmul.f32 v22, v10;
	v10 =	vmovc v28;
	s31 =	sshra.s32 s2, $0x2;
	v25 =	vmul.f32 v24, v8;
	v8 =	vmovc v3;
	v3 =	vmov v32;
	v18 =	vld [tilespmem:s30+$0x50F0]  }
0x91: {  	v22 =	vmul.f32 v31, v33;
	s2 =	sadd.s32 $0x200, s2;
	v24 =	vmul.f32 v29, v27;
	v19 =	vld [tilespmem:s31+$0x7880];
	v26 =	vmax.f32 v26, v30;
	[tilespmem:s0+$0xC880] =	vst v34  }
0x92: {  	v27 =	vld [tilespmem:s31+$0xA090]  }
0x93: {  	v26 =	vmul.f32 $1.442695020e+00, v26;
	_ =	sdelay $0x1  }
0x94: {  	[tilespmem:s0+$0xC890] =	vst v25;
	v36 =	vpop (erf);
	(erf) = vpow2.f32 v26  }
0x95: {  	v17 =	vmul.f32 v17, v21;
	v25 =	vld [tilespmem:s31+$0x5080];
	[tilespmem:s0+$0xC8A0] =	vst v23  }
0x96: {  	v16 =	vmul.f32 v16, v20;
	v23 =	vld [tilespmem:s31+$0x5090];
	[tilespmem:s0+$0xC8B0] =	vst v24;
	v38 =	vbroadcast v36, $0x7;
	v19 =	vadd.f32 v27, v19  }
0x97: {  	v39 =	vbroadcast v36, $0x0;
	v40 =	vbroadcast v36, $0x1;
	v24 =	vld [tilespmem:s31+$0x50A0];
	[tilespmem:s0+$0xC8C0] =	vst v22  }
0x98: {  	v37 =	vld [tilespmem:s31+$0x50B0];
	[tilespmem:s0+$0xC8D0] =	vst v17;
	v18 =	vmul.f32 v18, v38;
	v43 =	vmul.f32 $2.000000030e-01, v19  }
0x99: {  	v41 =	vbroadcast v36, $0x2;
	v28 =	vbroadcast v36, $0x3;
	v17 =	vld [tilespmem:s31+$0x50C0];
	[tilespmem:s0+$0xC8E0] =	vst v16  }
0x9a: {  	v29 =	vbroadcast v36, $0x4;
	v9 =	vmul.f32 v39, v9;
	v42 =	vld [tilespmem:s31+$0x50D0];
	[tilespmem:s30+$0xC8F0] =	vst v18;
	v45 =	vmax.f32 v19, v43  }
0x9b: {  	v8 =	vmul.f32 v40, v8;
	v30 =	vld [tilespmem:s31+$0x50E0];
	v46 =	vmul.f32 $1.442695020e+00, v45  }
0x9c: {  	v44 =	vbroadcast v36, $0x5;
	v10 =	vmul.f32 v41, v10;
	v31 =	vld [tilespmem:s29+$0x50F0];
	[tilespmem:s30+$0xC880] =	vst v9  }
0x9d: {  	v6 =	vmul.f32 v6, v28;
	[tilespmem:s30+$0xC890] =	vst v8;
	v48 =	vpop (erf);
	(erf) = vpow2.f32 v46  }
0x9e: {  	v47 =	vbroadcast v36, $0x6;
	v5 =	vmul.f32 v5, v29;
	[tilespmem:s30+$0xC8A0] =	vst v10  }
0x9f: {  	v4 =	vmul.f32 v4, v44;
	[tilespmem:s30+$0xC8B0] =	vst v6;
	v49 =	vbroadcast v48, $0x7  }
0xa0: {  	v50 =	vmul.f32 v7, v47;
	[tilespmem:s30+$0xC8C0] =	vst v5;
	v51 =	vbroadcast v48, $0x0  }
0xa1: {  	[tilespmem:s30+$0xC8D0] =	vst v4;
	v53 =	vbroadcast v48, $0x1;
	v52 =	vmul.f32 v31, v49  }
0xa2: {  	[tilespmem:s30+$0xC8E0] =	vst v50;
	v54 =	vbroadcast v48, $0x2;
	v2 =	vmul.f32 v51, v2  }
0xa3: {  	v55 =	vbroadcast v48, $0x3;
	v3 =	vmul.f32 v53, v3;
	[tilespmem:s29+$0xC8F0] =	vst v52  }
0xa4: {  	v56 =	vbroadcast v48, $0x4;
	v6 =	vmul.f32 v54, v11;
	v7 =	vld [tilespmem:s31+$0x50F0];
	[tilespmem:s29+$0xC880] =	vst v2  }
0xa5: {  	v5 =	vmul.f32 v14, v55;
	v2 =	vbroadcast v48, $0x5;
	[tilespmem:s29+$0xC890] =	vst v3  }
0xa6: {  	v4 =	vmul.f32 v12, v56;
	v3 =	vbroadcast v48, $0x6;
	[tilespmem:s29+$0xC8A0] =	vst v6;
	v57 =	vpop (erf)  }
0xa7: {  	[tilespmem:s29+$0xC8B0] =	vst v5;
	v2 =	vmul.f32 v13, v2;
	v58 =	vbroadcast v57, $0x7  }
0xa8: {  	[tilespmem:s29+$0xC8C0] =	vst v4;
	v3 =	vmul.f32 v15, v3;
	v59 =	vbroadcast v57, $0x0  }
0xa9: {  	[tilespmem:s29+$0xC8D0] =	vst v2;
	v60 =	vbroadcast v57, $0x1;
	v6 =	vmul.f32 v7, v58  }
0xaa: {  	[tilespmem:s29+$0xC8E0] =	vst v3;
	v2 =	vbroadcast v57, $0x2;
	v3 =	vmul.f32 v59, v25  }
0xab: {  	v61 =	vbroadcast v57, $0x3;
	v4 =	vmul.f32 v60, v23;
	[tilespmem:s31+$0xC8F0] =	vst v6  }
0xac: {  	v62 =	vbroadcast v57, $0x4;
	v2 =	vmul.f32 v2, v24;
	[tilespmem:s31+$0xC880] =	vst v3  }
0xad: {  	v5 =	vmul.f32 v37, v61;
	v3 =	vbroadcast v57, $0x5;
	[tilespmem:s31+$0xC890] =	vst v4  }
0xae: {  	v63 =	vbroadcast v57, $0x6;
	v6 =	vmul.f32 v17, v62;
	[tilespmem:s31+$0xC8A0] =	vst v2  }
0xaf: {  	[tilespmem:s31+$0xC8B0] =	vst v5;
	v2 =	vmul.f32 v42, v3  }
0xb0: {  	s28 =	sadd.s32 $0x1, s28;
	v3 =	vmul.f32 v30, v63;
	[tilespmem:s31+$0xC8C0] =	vst v6  }
0xb1: {  	p0 =	sne.s32 s28, $0xFA;
	[tilespmem:s31+$0xC8D0] =	vst v2  }
.Ltmp2:
0xb2: {  	[tilespmem:s31+$0xC8E0] =	vst v3;
	(pc) =	sbr.rel @p0 .LBB2_4-.Ltmp2, $4  }
0xb3: {  	[spmem:s1] =	stream.indirect.scatter.add.f32 [tilespmem:s16], [sflag:$0x2], $0x80, s25, s17, $0xb8;
	[tilespmem:$0x19080] =	vst v63  }
0xb4: {  	_ =	swait.ge [sflag:s15], $0x2800  }
0xb5: {  	[sflag:s15] =	ssyncset.done $0x0  }
0xb6: {  	[sflag:s15] =	ssyncadd.s32 $0xFFFFD800  }
0xb7: {  	[bflag:$0x0] =	sbarrier.arrive $0xFFFF  }
0xb8: {  	[tilespmem:s16], [sflag:$0x2] =	stream.linear.gather [spmem:s6], $0x2800, $0x38;
	[tilespmem:$0x19080] =	vst v63  }
0xb9: {  	_ =	swait.ge [sflag:s15], $0x2800  }
0xba: {  	[sflag:s15] =	ssyncset.done $0x0  }
0xbb: {  	[sflag:s15] =	ssyncadd.s32 $0xFFFFD800  }
0xbc: {  	[hbm4b:s10+s3] =	stream.linear.scatter [tilespmem:s16], [sflag:$0x2], $0x2800, $0x38;
	[tilespmem:$0x19080] =	vst v63  }
0xbd: {  	_ =	swait.ge [sflag:s15], $0x2800  }
0xbe: {  	[sflag:s15] =	ssyncset.done $0x0  }
0xbf: {  	[sflag:s15] =	ssyncadd.s32 $0xFFFFD800  }
0xc0: {  	[tilespmem:s16], [sflag:$0x2] =	stream.linear.gather [spmem:s7], $0x2800, $0x38;
	[tilespmem:$0x19080] =	vst v63  }
0xc1: {  	_ =	swait.ge [sflag:s15], $0x2800  }
0xc2: {  	[sflag:s15] =	ssyncset.done $0x0  }
0xc3: {  	[sflag:s15] =	ssyncadd.s32 $0xFFFFD800  }
0xc4: {  	[hbm4b:s11+s3] =	stream.linear.scatter [tilespmem:s16], [sflag:$0x2], $0x2800, $0x38;
	[tilespmem:$0x19080] =	vst v63  }
0xc5: {  	_ =	swait.ge [sflag:s15], $0x2800  }
0xc6: {  	[sflag:s15] =	ssyncset.done $0x0  }
0xc7: {  	[sflag:s15] =	ssyncadd.s32 $0xFFFFD800  }
0xc8: {  	[tilespmem:s16], [sflag:$0x2] =	stream.linear.gather [spmem:s8], $0x2800, $0x38;
	[tilespmem:$0x19080] =	vst v63  }
0xc9: {  	_ =	swait.ge [sflag:s15], $0x2800  }
0xca: {  	[sflag:s15] =	ssyncset.done $0x0  }
0xcb: {  	[sflag:s15] =	ssyncadd.s32 $0xFFFFD800  }
0xcc: {  	[hbm4b:s12+s3] =	stream.linear.scatter [tilespmem:s16], [sflag:$0x2], $0x2800, $0x38;
	[tilespmem:$0x19080] =	vst v63  }
0xcd: {  	_ =	swait.ge [sflag:s15], $0x2800  }
0xce: {  	[sflag:s15] =	ssyncset.done $0x0  }
0xcf: {  	[sflag:s15] =	ssyncadd.s32 $0xFFFFD800  }
0xd0: {  	[tilespmem:s16], [sflag:$0x2] =	stream.linear.gather [spmem:s9], $0x2800, $0x38;
	[tilespmem:$0x19080] =	vst v63  }
0xd1: {  	s26 =	sadd.s32 $0x1, s26;
	_ =	swait.ge [sflag:s15], $0x2800  }
0xd2: {  	p0 =	sne.s32 s26, s14;
	[sflag:s15] =	ssyncset.done $0x0  }
.Ltmp3:
0xd3: {  	[sflag:s15] =	ssyncadd.s32 $0xFFFFD800;
	(pc) =	sbr.rel @p0 .LBB2_1-.Ltmp3, $4  }
0xd4: {  	[hbm4b:s13+s3] =	stream.linear.scatter [tilespmem:s16], [sflag:$0x2], $0x2800, $0x38;
	[tilespmem:$0x19080] =	vst v63  }
0xd5: {  	_ =	swait.ge [sflag:s15], $0x2800  }
0xd6: {  	[sflag:s15] =	ssyncset.done $0x0  }
0xd7: {  	[sflag:s15] =	ssyncadd.s32 $0xFFFFD800  }
0xd8: {  	_ =	sfence.sel $0x180000  }
0xd9: {  	[bflag:$0x0] =	sbarrier.arrive $0xFFFF  }
0xda: {  	_ =	strace $0x90000047  }
0xdb: {  	s0 =	stileid.u32;
	[bflag:$0x2] =	sbarrier.arrive $0xFFFF  }
0xdc: {  	p0 =	sne.s32 s0, $0x0;
	s0 =	rddreg [dreg:$0x3]  }
0xdd: {  	s0 =	sadd.s32 @!p0 $0x100000, s0  }
0xde: {  	[sflag:s0] =	ssyncadd.tile.s32 @!p0 $0x1;
	_ =	shalt  }
.Lfunc_end2:
_tile_overlayer_lowered:
.L_overlay_start_2:
0xdf: {  	(tag) =	ssettag $0x2  }
0xe0: {  	s0 =	rddreg [dreg:$0x0];
	s2 =	stileid.u32  }
0xe1: {  	s1 =	rddreg [dreg:$0x1];
	p0 =	sne.s32 s2, $0x0  }
0xe2: {  	s3 =	rddreg [dreg:$0x2];
	[bflag:$0x3] =	sbarrier.arrive $0xFFFF;
	s2 =	simm.s32 @!p0 $0x1C02  }
0xe3: {  	[timem:s3], [sflag:s2] =	dma.local @!p0 [hbm:s0], s1  }
0xe4: {  	s0 =	simm.s32 @!p0 $0x2  }
0xe5: {  	_ =	swait.ge @!p0 [sflag:s0], s1  }
0xe6: {  	s1 =	ssub.s32 @!p0 $0x0, s1;
	[sflag:s0] =	ssyncset.done @!p0 $0x0  }
0xe7: {  	[sflag:s0] =	ssyncadd.s32 @!p0 s1  }
0xe8: {  	[bflag:$0x3] =	sbarrier.arrive $0xFFFF  }
0xe9: {  	_ =	shalt  }

// kernel: kernel.9.cloned.1.call-start
scs
__scs_entry_jumppad:
0x0: {  	(pc) =	sbr.rel $0x88, $3  }
0x1: {  	(tag) =	ssettag $0x0;
	lr =	simm.s32 $0x1  }
0x2: {  	[smem:$0x3F9B] =	sst lr;
	_ =	strace $0xD0000000  }
0x3: {  	_ = 	snop  }
0x4: {  	_ = 	snop  }
0x5: {  	_ = 	snop  }
0x6: {  	_ = 	snop  }
0x7: {  	_ = 	snop  }
__scs_overlays_trampoline_lowered:
0x8: {  	[smem:$0x3FAA] =	sst s0  }
0x9: {  	[smem:$0x3FAB] =	sst s1  }
0xa: {  	[smem:$0x3FAC] =	sst s2  }
0xb: {  	[smem:$0x3FAD] =	sst s3  }
0xc: {  	[smem:$0x3FAE] =	sst s4  }
0xd: {  	[smem:$0x3FAF] =	sst s5  }
0xe: {  	[smem:$0x3FB0] =	sst s6  }
0xf: {  	[smem:$0x3FB1] =	sst s7  }
0x10: {  	[smem:$0x3FB2] =	sst s8  }
0x11: {  	[smem:$0x3FB3] =	sst s9;
	s0 =	simm.s32 @!p0 $0x0  }
0x12: {  	s1 =	sld [smem:$0x3F99];
	s0 =	simm.s32 @p0 $0x1  }
0x13: {  	[smem:$0x3FB4] =	sst s0;
	s0 =	simm.s32 @!p1 $0x0  }
0x14: {  	s2 =	sld [smem:$0x3F98];
	s0 =	simm.s32 @p1 $0x1  }
0x15: {  	[smem:$0x3FB5] =	sst s0;
	s0 =	simm.s32 @!p2 $0x0  }
0x16: {  	s3 =	sld [smem:$0x3FDB];
	s0 =	simm.s32 @p2 $0x1  }
0x17: {  	s4 =	simm.s32 $0x1BF5;
	[smem:$0x3FB7] =	sst s0  }
0x18: {  	s0 =	sld [smem:$0x3F9A];
	_ =	swait.ge [sflag:s4], $0x0  }
0x19: {  	s7 =	sld [smem:$0x3F9B]  }
0x1a: {  	s8 =	sadd.s32 $0xFFFFE003, lr  }
0x1b: {  	s9 =	sadd.s32 $0xFFFFFEF7, lr;
	s5 =	simm.s32 $0xFFFFFFFF;
	p2 =	slt.u32 s8, $0xFFFFF086  }
0x1c: {  	p1 =	slt.u32 s9, $0xF7A;
	s5 =	simm.s32 @!p2 $0x0  }
0x1d: {  	s5 =	simm.s32 @p1 $0x1;
	p0 =	seq.s32 s7, s2  }
0x1e: {  	s7 =	smul.u32 @!p0 $0xF7A, s2;
	p2 =	seq.s32 @!p0 s5, $0x0  }
0x1f: {  	s9 =	smul.u32 $0xF7A, s1;
	s8 =	simm.s32 @!p0 $0x1BF5;
	p2 =	por !p2, p0  }
0x20: {  	[sflag:s8] =	ssyncset.s32 @!p0 $0xFFFFF086;
	s6 =	sadd.s32 @!p0 s3, s7;
	s7 =	simm.s32 @!p0 $0x108  }
0x21: {  	s3 =	sadd.s32 s3, s9;
	s6 =	sadd.s32 @!p0 $0x88, s6;
	s7 =	simm.s32 @p2 $0x1082  }
0x22: {  	[simem:s7], [sflag:s8] =	dma.local @!p0 [hbm:s6], $0xF7A  }
0x23: {  	s9 =	sor.u32 $0xD0000000, s2;
	s6 =	simm.s32 $0x108;
	_ =	swait.ge @!p0 [sflag:s8], $0x0  }
0x24: {  	s3 =	sadd.s32 $0x88, s3;
	s6 =	simm.s32 @!p1 $0x1082;
	[sflag:s4] =	ssyncset.s32 $0xFFFFF086  }
0x25: {  	[simem:s6], [sflag:s4] =	dma.local [hbm:s3], $0xF7A  }
0x26: {  	[smem:$0x3F9B] =	sst s1;
	(tag) =	ssettag s2;
	_ =	strace s9  }
0x27: {  	s1 =	sld [smem:$0x3FAB]  }
0x28: {  	s2 =	sld [smem:$0x3FAC]  }
0x29: {  	s4 =	sld [smem:$0x3FAE]  }
0x2a: {  	p0 =	seq.s32 s5, $0x0;
	s5 =	sld [smem:$0x3FAF]  }
0x2b: {  	s6 =	sld [smem:$0x3FB0]  }
0x2c: {  	s7 =	sld [smem:$0x3FB1]  }
0x2d: {  	s3 =	simm.s32 $0x108;
	s8 =	sld [smem:$0x3FB2]  }
0x2e: {  	s3 =	simm.s32 @!p0 $0x1082;
	s9 =	sld [smem:$0x3FB3]  }
0x2f: {  	lr =	sadd.s32 s0, s3;
	s0 =	sld [smem:$0x3FAA]  }
0x30: {  	s3 =	sld [smem:$0x3FAD]  }
0x31: {  	[smem:$0x3FB6] =	sst s10  }
0x32: {  	s10 =	sld [smem:$0x3FB4];
	_ =	sdelay $0x3  }
0x33: {  	p0 =	seq.s32 s10, $0x1;
	s10 =	sld [smem:$0x3FB6];
	_ =	sdelay $0x3  }
0x34: {  	[smem:$0x3FB6] =	sst s10  }
0x35: {  	s10 =	sld [smem:$0x3FB5];
	_ =	sdelay $0x3  }
0x36: {  	p1 =	seq.s32 s10, $0x1;
	s10 =	sld [smem:$0x3FB6];
	_ =	sdelay $0x3  }
0x37: {  	[smem:$0x3FB6] =	sst s10  }
0x38: {  	s10 =	sld [smem:$0x3FB7]  }
0x39: {  	_ = 	snop;
	(pc) =	sbr.ind lr, $3  }
0x3a: {  	_ = 	snop  }
0x3b: {  	_ = 	snop  }
0x3c: {  	p2 =	seq.s32 s10, $0x1;
	s10 =	sld [smem:$0x3FB6]  }
0x3d: {  	_ =	shalt  }
0x3e: {  	_ =	shalt  }
0x3f: {  	_ =	shalt  }
0x40: {  	_ =	shalt  }
0x41: {  	_ =	shalt  }
0x42: {  	_ =	shalt  }
0x43: {  	_ =	shalt  }
0x44: {  	_ =	shalt  }
0x45: {  	_ =	shalt  }
0x46: {  	_ =	shalt  }
0x47: {  	_ =	shalt  }
0x48: {  	_ =	shalt  }
0x49: {  	_ =	shalt  }
0x4a: {  	_ =	shalt  }
0x4b: {  	_ =	shalt  }
0x4c: {  	_ =	shalt  }
0x4d: {  	_ =	shalt  }
0x4e: {  	_ =	shalt  }
0x4f: {  	_ =	shalt  }
0x50: {  	_ =	shalt  }
0x51: {  	_ =	shalt  }
0x52: {  	_ =	shalt  }
0x53: {  	_ =	shalt  }
0x54: {  	_ =	shalt  }
0x55: {  	_ =	shalt  }
0x56: {  	_ =	shalt  }
0x57: {  	_ =	shalt  }
0x58: {  	_ =	shalt  }
0x59: {  	_ =	shalt  }
0x5a: {  	_ =	shalt  }
0x5b: {  	_ =	shalt  }
0x5c: {  	_ =	shalt  }
0x5d: {  	_ =	shalt  }
0x5e: {  	_ =	shalt  }
0x5f: {  	_ =	shalt  }
0x60: {  	_ =	shalt  }
0x61: {  	_ =	shalt  }
0x62: {  	_ =	shalt  }
0x63: {  	_ =	shalt  }
0x64: {  	_ =	shalt  }
0x65: {  	_ =	shalt  }
0x66: {  	_ =	shalt  }
0x67: {  	_ =	shalt  }
0x68: {  	_ =	shalt  }
0x69: {  	_ =	shalt  }
0x6a: {  	_ =	shalt  }
0x6b: {  	_ =	shalt  }
0x6c: {  	_ =	shalt  }
0x6d: {  	_ =	shalt  }
0x6e: {  	_ =	shalt  }
0x6f: {  	_ =	shalt  }
0x70: {  	_ =	shalt  }
0x71: {  	_ =	shalt  }
0x72: {  	_ =	shalt  }
0x73: {  	_ =	shalt  }
0x74: {  	_ =	shalt  }
0x75: {  	_ =	shalt  }
0x76: {  	_ =	shalt  }
0x77: {  	_ =	shalt  }
0x78: {  	_ =	shalt  }
0x79: {  	_ =	shalt  }
0x7a: {  	_ =	shalt  }
0x7b: {  	_ =	shalt  }
0x7c: {  	_ =	shalt  }
0x7d: {  	_ =	shalt  }
0x7e: {  	_ =	shalt  }
0x7f: {  	_ =	shalt  }
0x80: {  	_ =	shalt  }
0x81: {  	_ =	shalt  }
0x82: {  	_ =	shalt  }
0x83: {  	_ =	shalt  }
0x84: {  	_ =	shalt  }
0x85: {  	_ =	shalt  }
0x86: {  	_ =	shalt  }
0x87: {  	_ =	shalt  }
.Lfunc_end0:
.L_simem_size_0:
called_computation.1_lowered:
.L_overlay_start_0:
0x88: {  	s2 =	sld [smem:$0x3FD9]  }
0x89: {  	s3 =	sld [smem:$0x3FFE];
	_ =	sdelay $0x1  }
0x8a: {  	s1 =	srdreg.scid  }
0x8b: {  	s0 =	sand.u32 $0x1, s1  }
0x8c: {  	s17 =	sshll.u32 s0, $0xA;
	s2 =	sadd.s32 s3, s2  }
0x8d: {  	s2 =	sadd.s32 s2, s17  }
0x8e: {  	[smem:$0x3FC2] =	sst s2  }
0x8f: {  	_ = 	snop  }
0x90: {  	s18 =	sld [smem:$0x3FD0];
	(tm) =	ssettm $0x1  }
0x91: {  	s19 =	sld [smem:$0x3FFB];
	_ =	sdelay $0x3  }
0x92: {  	_ =	strace s19  }
0x93: {  	s2 =	sld [smem:$0x3FFC];
	_ =	sdelay $0x3  }
0x94: {  	_ =	strace s2  }
0x95: {  	s2 =	sld [smem:$0x3FFD];
	_ =	sdelay $0x3  }
0x96: {  	_ =	strace s2  }
0x97: {  	_ =	strace $0x8FFFFFFF  }
0x98: {  	s20 =	sld [smem:$0x3FDB];
	_ =	sdelay $0x1  }
0x99: {  	s4 =	simm.s32 $_scs_section_size  }
0x9a: {  	s5 =	simm.s32 $_size__tile_overlayer_lowered;
	s6 =	simm.s32 $_tile_overlayer_lowered  }
0x9b: {  	s7 =	simm.s32 $0x1BFF;
	s21 =	sshll.u32 s6, $0x1;
	s4 =	sadd.s32 s4, s20  }
0x9c: {  	s22 =	simm.s32 $0x0;
	s5 =	sshll.u32 s5, $0x1;
	s6 =	sadd.s32 s21, s4  }
0x9d: {  	[timem:s22], [sflag:s7] =	dma.local [hbm:s6], s5  }
0x9e: {  	_ =	swait.ge [sflag:s7], s5  }
0x9f: {  	s5 =	ssub.s32 $0x0, s5;
	[sflag:s7] =	ssyncset.done $0x0  }
0xa0: {  	[sflag:s7] =	ssyncadd.s32 s5;
	_ =	sdelay $0x1  }
0xa1: {  	s23 =	simm.s32 $0x1B8B  }
0xa2: {  	_ =	swait.ge [sflag:s23], $0x1  }
0xa3: {  	[sflag:s23] =	ssyncset.done $0x0  }
0xa4: {  	[sflag:s23] =	ssyncadd.s32 $0xFFFFFFFF  }
0xa5: {  	s5 =	sld [smem:$0x0]  }
0xa6: {  	s6 =	sand.u32 $0xFFFFFFFE, s1  }
0xa7: {  	p0 =	sne.s32 s1, s6  }
0xa8: {  	s6 =	sshll.u32 @p0 s6, $0xE  }
0xa9: {  	s6 =	sadd.s32 @p0 $0x11B8D, s6;
	s7 =	sshll.u32 @p0 s5, $0x11  }
0xaa: {  	s6 =	sor.u32 @p0 s7, s6  }
0xab: {  	[sflag:s6] =	ssyncadd.remote.s32 @p0 $0x1;
	_ =	sdelay $0x1  }
0xac: {  	s6 =	simm.s32 @p0 $0x1B8D  }
0xad: {  	_ =	swait.eq @p0 [sflag:s6], $0x1  }
0xae: {  	[sflag:s6] =	ssyncadd.s32 @p0 $0xFFFFFFFF  }
0xaf: {  	s7 =	sshll.u32 @!p0 s1, $0xE  }
0xb0: {  	s7 =	sor.u32 @!p0 $0x4000, s7;
	s6 =	simm.s32 @!p0 $0x1B8D  }
0xb1: {  	s5 =	sshll.u32 @!p0 s5, $0x11;
	s7 =	sadd.s32 @!p0 $0x11B8D, s7;
	_ =	swait.eq @!p0 [sflag:s6], $0x1  }
0xb2: {  	s5 =	sor.u32 @!p0 s5, s7;
	[sflag:s6] =	ssyncadd.s32 @!p0 $0xFFFFFFFF  }
0xb3: {  	s25 =	simm.s32 $0x1B8E;
	s24 =	sld [smem:$0x3FFE];
	[sflag:s5] =	ssyncadd.remote.s32 @!p0 $0x1  }
0xb4: {  	s26 =	simm.s32 $execute0_lowered;
	[smem:$0x3FD2] =	sst s25  }
0xb5: {  	s6 =	sshll.u32 s26, $0x1;
	_ =	strace $0x80000049;
	[dreg:$0x1] =	wrdreg $0xFFFFFFFF  }
0xb6: {  	s28 =	simm.s32 $_size_execute0_lowered;
	s4 =	sadd.s32 s4, s6;
	[dreg:$0x0] =	wrdreg $0x0  }
0xb7: {  	s6 =	sshll.u32 s28, $0x1;
	[dreg:$0x2] =	wrdreg s4  }
0xb8: {  	[dreg:$0x3] =	wrdreg s6  }
0xb9: {  	[dreg:$0x4] =	wrdreg $0xC0  }
0xba: {  	_ =	task [dreg:s22], $0x5FFFF  }
0xbb: {  	[dreg:$0x1] =	wrdreg $0xFFFFFFFF  }
0xbc: {  	[dreg:$0x0] =	wrdreg $0x60  }
0xbd: {  	[dreg:$0x2] =	wrdreg s24  }
0xbe: {  	[dreg:$0x3] =	wrdreg s18  }
0xbf: {  	[dreg:$0x4] =	wrdreg $0xC8000  }
0xc0: {  	[dreg:$0x5] =	wrdreg $0xA  }
0xc1: {  	_ =	task.clear_ibuf [dreg:s22], $0x6FFFF;
	_ =	strace $0x90000049  }
0xc2: {  	s29 =	simm.s32 $0xA;
	_ =	strace $0x8000004B  }
0xc3: {  	_ =	swait.ge [sflag:s29], $0x1  }
0xc4: {  	[sflag:s29] =	ssyncadd.s32 $0xFFFFFFFF  }
0xc5: {  	_ =	strace $0x9000004B  }
0xc6: {  	_ =	sfence  }
0xc7: {  	s30 =	sld [smem:$0x0];
	_ =	sdelay $0x2  }
0xc8: {  	s31 =	sshll.u32 s1, $0xD;
	s1 =	sshrl.u32 s1, $0x2  }
0xc9: {  	s4 =	sand.u32 $0x4000, s31;
	s1 =	sadd.s32 s1, s30  }
0xca: {  	s0 =	sor.u32 s4, s0;
	s1 =	sshll.u32 s1, $0x11  }
0xcb: {  	s0 =	sor.u32 s1, s0  }
0xcc: {  	s0 =	sadd.s32 $0x8F2B, s0  }
0xcd: {  	[sflag:s0] =	ssyncadd.remote.s32 $0x1  }
0xce: {  	_ =	sfence.sel $0xFFFF  }
0xcf: {  	[dreg:$0x0] =	wrdreg $0xFFFFFFFF;
	(pc) =	sbr.abs _section_cstart, $3  }
0xd0: {  	[dreg:$0x1] =	wrdreg $0xFFFFFFFF  }
0xd1: {  	_ =	task.clear_ibuf [dreg:s22], $0x2FFFF;
	_ =	strace $0x9FFFFFFF  }
0xd2: {  	(tm) =	ssettm $0x7FFFFFFF  }
0xd3: {  	_ =	shalt  }
tec
execute0_lowered:
.L_overlay_start_1:
0x0: {  	(tag) =	ssettag $0x1  }
0x1: {  	s5 =	rddreg [dreg:$0x0]  }
0x2: {  	s6 =	rddreg [dreg:$0x1]  }
0x3: {  	s1 =	rddreg [dreg:$0x2]  }
0x4: {  	s3 =	simm.s32 $0x0;
	s2 =	srdreg.scid;
	s18 =	simm.s32 $0x4E80  }
0x5: {  	s19 =	simm.s32 $0x5000;
	s20 =	simm.s32 $0x1;
	s7 =	sand.u32 $0x1, s2  }
0x6: {  	s21 =	simm.s32 $0x4F00;
	s2 =	stileid.u32;
	s22 =	smul.u32 $0xFFFFEC78, s7  }
0x7: {  	s23 =	simm.s32 $0x4F80;
	s24 =	simm.s32 $0x0;
	s9 =	smul.u32 $0x28000, s2  }
0x8: {  	[smem:$0x7FF] =	sst s3;
	s4 =	sadd.s32 $0x1400, s5;
	s11 =	smul.u32 $0xA000, s2  }
0x9: {  	s13 =	sadd.s32 $0x77600, s5;
	s8 =	ssub.s32 $0x2, s7;
	s26 =	smul.u32 $0x9C4, s2  }
0xa: {  	_ =	strace $0x8000004A;
	s15 =	smul.u32 $0xA0000, s7;
	s10 =	sshrl.u32 s8, $0x1  }
0xb: {  	s14 =	ssub.s32 s8, s10;
	s28 =	sshrl.u32 s9, $0x2;
	s12 =	sadd.s32 $0x2800, s11  }
0xc: {  	s5 =	sadd.s32 s6, s26;
	s16 =	sadd.s32 $0x5000, s11;
	s17 =	sadd.s32 $0x7800, s11  }
0xd: {  	s29 =	sadd.s32 s11, s15;
	v0 =	vmov s22;
	s22 =	simm.s32 $0x7800;
	s6 =	sadd.s32 s28, s1  }
0xe: {  	s7 =	sadd.s32 s12, s1;
	s8 =	sadd.s32 s16, s1;
	s9 =	sadd.s32 s17, s1  }
0xf: {  	s10 =	sshrl.u32 s29, $0x3;
	s30 =	sadd.s32 s15, s12;
	s31 =	sadd.s32 s15, s16  }
0x10: {  	s15 =	sadd.s32 s15, s17;
	s14 =	smax.u32 s14, $0x1;
	s16 =	simm.s32 $0xA000  }
0x11: {  	s17 =	simm.s32 $0x50;
	s10 =	sadd.s32 s13, s10;
	s11 =	sshrl.u32 s30, $0x3  }
0x12: {  	s12 =	sshrl.u32 s31, $0x3;
	s15 =	sshrl.u32 s15, $0x3;
	s11 =	sadd.s32 s13, s11  }
0x13: {  	v1 =	vimm.f32 $0.0e+00;
	s12 =	sadd.s32 s13, s12;
	s13 =	sadd.s32 s13, s15;
	s15 =	simm.s32 $0x2  }
.LBB2_1:
0x14: {  	[tilespmem:s3], [sflag:$0x2] =	stream.linear.gather [hbm4b:s5+s3], $0x4E20, $0x38;
	[tilespmem:$0x16800] =	vst v63  }
0x15: {  	_ =	swait.ge [sflag:s15], $0x4E20  }
0x16: {  	[sflag:s15] =	ssyncset.done $0x0  }
0x17: {  	s25 =	simm.s32 $0x0;
	s26 =	simm.s32 $0x200;
	[sflag:s15] =	ssyncadd.s32 $0xFFFFB1E0  }
.LBB2_2:
0x18: {  	p0 =	sne.s32 s26, $0x9E00;
	[tilespmem:s25+$0xA070] =	vst v1  }
0x19: {  	[tilespmem:s25+$0xA000] =	vst v1  }
0x1a: {  	[tilespmem:s25+$0xA010] =	vst v1  }
.Ltmp0:
0x1b: {  	[tilespmem:s25+$0xA020] =	vst v1;
	(pc) =	sbr.rel @p0 .LBB2_2-.Ltmp0, $4  }
0x1c: {  	[tilespmem:s25+$0xA030] =	vst v1  }
0x1d: {  	[tilespmem:s25+$0xA040] =	vst v1  }
0x1e: {  	[tilespmem:s25+$0xA050] =	vst v1  }
0x1f: {  	[tilespmem:s25+$0xA060] =	vst v1;
	s25 =	sshra.s32 s26, $0x2;
	s26 =	sadd.s32 $0x200, s26  }
0x20: {  	[tilespmem:s25+$0xA070] =	vst v1  }
0x21: {  	[tilespmem:s25+$0xA000] =	vst v1  }
0x22: {  	[tilespmem:s25+$0xA010] =	vst v1  }
0x23: {  	[tilespmem:s25+$0xA020] =	vst v1  }
0x24: {  	[tilespmem:s25+$0xA030] =	vst v1  }
0x25: {  	[tilespmem:s25+$0xA040] =	vst v1  }
0x26: {  	[tilespmem:s25+$0xA050] =	vst v1  }
0x27: {  	[tilespmem:s25+$0xA060] =	vst v1  }
0x28: {  	[spmem:s6] =	stream.linear.scatter [tilespmem:s16], [sflag:$0x2], $0x2800, $0x38;
	[tilespmem:$0x16800] =	vst v63  }
0x29: {  	_ =	swait.ge [sflag:s15], $0x2800  }
0x2a: {  	[sflag:s15] =	ssyncset.done $0x0  }
0x2b: {  	[sflag:s15] =	ssyncadd.s32 $0xFFFFD800  }
0x2c: {  	[spmem:s7] =	stream.linear.scatter [tilespmem:s16], [sflag:$0x2], $0x2800, $0x38;
	[tilespmem:$0x16800] =	vst v63  }
0x2d: {  	_ =	swait.ge [sflag:s15], $0x2800  }
0x2e: {  	[sflag:s15] =	ssyncset.done $0x0  }
0x2f: {  	[sflag:s15] =	ssyncadd.s32 $0xFFFFD800  }
0x30: {  	[spmem:s8] =	stream.linear.scatter [tilespmem:s16], [sflag:$0x2], $0x2800, $0x38;
	[tilespmem:$0x16800] =	vst v63  }
0x31: {  	_ =	swait.ge [sflag:s15], $0x2800  }
0x32: {  	[sflag:s15] =	ssyncset.done $0x0  }
0x33: {  	[sflag:s15] =	ssyncadd.s32 $0xFFFFD800  }
0x34: {  	[spmem:s9] =	stream.linear.scatter [tilespmem:s16], [sflag:$0x2], $0x2800, $0x38;
	[tilespmem:$0x16800] =	vst v63  }
0x35: {  	_ =	swait.ge [sflag:s15], $0x2800  }
0x36: {  	[sflag:s15] =	ssyncset.done $0x0  }
0x37: {  	[sflag:s15] =	ssyncadd.s32 $0xFFFFD800  }
0x38: {  	s25 =	simm.s32 $0x0;
	[bflag:$0x0] =	sbarrier.arrive $0xFFFF  }
.LBB2_4:
0x39: {  	s26 =	smul.u32 $0x140, s25;
	_ =	sdelay $0x1  }
0x3a: {  	s26 =	sshra.s32 s26, $0x2  }
0x3b: {  	v2 =	vld [tilespmem:s26+$0x0];
	_ =	sdelay $0x4  }
0x3c: {  	v3 =	vand.u32 $0x3FFF, v2;
	v2 =	vshrl.u32 v2, $0xD  }
0x3d: {  	v2 =	vor.u32 $0x1, v2;
	v4 =	vshll.u32 v3, $0x1  }
0x3e: {  	v3 =	vadd.s32 v0, v3;
	[tilespmem:$0x4E80] =	vst v2;
	v2 =	vor.u32 $0x1, v4  }
0x3f: {  	[tilespmem:$0x4F00] =	vst v2;
	v2 =	vmin.u32 v3, $0x1388  }
0x40: {  	[tilespmem:$0x4F80] =	vst v2  }
0x41: {  	v2 =	vld [tilespmem:s26+$0x10];
	_ =	sdelay $0x4  }
0x42: {  	v3 =	vand.u32 $0x3FFF, v2;
	v2 =	vshrl.u32 v2, $0xD  }
0x43: {  	v2 =	vor.u32 $0x1, v2;
	v4 =	vshll.u32 v3, $0x1  }
0x44: {  	v3 =	vadd.s32 v0, v3;
	[tilespmem:$0x4E90] =	vst v2;
	v2 =	vor.u32 $0x1, v4  }
0x45: {  	[tilespmem:$0x4F10] =	vst v2;
	v2 =	vmin.u32 v3, $0x1388  }
0x46: {  	[tilespmem:$0x4F90] =	vst v2  }
0x47: {  	v2 =	vld [tilespmem:s26+$0x20];
	_ =	sdelay $0x4  }
0x48: {  	v3 =	vand.u32 $0x3FFF, v2;
	v2 =	vshrl.u32 v2, $0xD  }
0x49: {  	v2 =	vor.u32 $0x1, v2;
	v4 =	vshll.u32 v3, $0x1  }
0x4a: {  	v3 =	vadd.s32 v0, v3;
	[tilespmem:$0x4EA0] =	vst v2;
	v2 =	vor.u32 $0x1, v4  }
0x4b: {  	[tilespmem:$0x4F20] =	vst v2;
	v2 =	vmin.u32 v3, $0x1388  }
0x4c: {  	[tilespmem:$0x4FA0] =	vst v2  }
0x4d: {  	v2 =	vld [tilespmem:s26+$0x30];
	_ =	sdelay $0x4  }
0x4e: {  	v3 =	vand.u32 $0x3FFF, v2;
	v2 =	vshrl.u32 v2, $0xD  }
0x4f: {  	v2 =	vor.u32 $0x1, v2;
	v4 =	vshll.u32 v3, $0x1  }
0x50: {  	v3 =	vadd.s32 v0, v3;
	[tilespmem:$0x4EB0] =	vst v2;
	v2 =	vor.u32 $0x1, v4  }
0x51: {  	[tilespmem:$0x4F30] =	vst v2;
	v2 =	vmin.u32 v3, $0x1388  }
0x52: {  	[tilespmem:$0x4FB0] =	vst v2  }
0x53: {  	v2 =	vld [tilespmem:s26+$0x40];
	_ =	sdelay $0x4  }
0x54: {  	v3 =	vand.u32 $0x3FFF, v2;
	v2 =	vshrl.u32 v2, $0xD  }
0x55: {  	v2 =	vor.u32 $0x1, v2;
	v4 =	vshll.u32 v3, $0x1  }
0x56: {  	v3 =	vadd.s32 v0, v3;
	[tilespmem:$0x4EC0] =	vst v2;
	v2 =	vor.u32 $0x1, v4  }
0x57: {  	[tilespmem:$0x4F40] =	vst v2;
	v2 =	vmin.u32 v3, $0x1388  }
0x58: {  	[tilespmem:$0x4FC0] =	vst v2  }
0x59: {  	[tilespmem:s19], [sflag:$0x1] =	stream.indirect.gather [hbm4b:s4+s17], $0x80, s18, s17, $0xb8;
	[tilespmem:$0x16800] =	vst v63  }
0x5a: {  	_ =	swait.ge [sflag:s20], $0x2800  }
0x5b: {  	[sflag:s20] =	ssyncset.done $0x0  }
0x5c: {  	[sflag:s20] =	ssyncadd.s32 $0xFFFFD800  }
0x5d: {  	[tilespmem:s22], [sflag:$0x1] =	stream.indirect.gather [hbm4b:s4+s17], $0x80, s21, s17, $0xb8;
	[tilespmem:$0x16800] =	vst v63  }
0x5e: {  	_ =	swait.ge [sflag:s20], $0x2800  }
0x5f: {  	[sflag:s20] =	ssyncset.done $0x0  }
0x60: {  	s26 =	simm.s32 $0x0;
	[sflag:s20] =	ssyncadd.s32 $0xFFFFD800  }
0x61: {  	v2 =	vld [tilespmem:s26+$0x5000]  }
0x62: {  	v3 =	vld [tilespmem:s26+$0x7810];
	_ =	sdelay $0x4  }
0x63: {  	v2 =	vadd.f32 v3, v2;
	_ =	sdelay $0x1  }
0x64: {  	s28 =	simm.s32 $0x80;
	v3 =	vmul.f32 $2.000000030e-01, v2  }
0x65: {  	v4 =	vld [tilespmem:s28+$0x5000]  }
0x66: {  	v5 =	vld [tilespmem:s28+$0x7810];
	v2 =	vmax.f32 v2, v3  }
0x67: {  	s30 =	simm.s32 $0x100;
	v2 =	vmul.f32 $1.442695020e+00, v2  }
0x68: {  	v3 =	vld [tilespmem:s30+$0x5000]  }
0x69: {  	(erf) = vpow2.f32 v2;
	v2 =	vld [tilespmem:s30+$0x7810];
	_ =	sdelay $0x1  }
0x6a: {  	v4 =	vadd.f32 v5, v4;
	_ =	sdelay $0x1  }
0x6b: {  	v5 =	vmul.f32 $2.000000030e-01, v4  }
0x6c: {  	v6 =	vadd.f32 v2, v3  }
0x6d: {  	v2 =	vmax.f32 v4, v5  }
0x6e: {  	s29 =	simm.s32 $0x180;
	v3 =	vmul.f32 $1.442695020e+00, v2;
	v4 =	vmul.f32 $2.000000030e-01, v6  }
0x6f: {  	v2 =	vld [tilespmem:s29+$0x5000]  }
0x70: {  	(erf) = vpow2.f32 v3;
	v3 =	vld [tilespmem:s29+$0x7810];
	_ =	sdelay $0x1  }
0x71: {  	s31 =	simm.s32 $0x800;
	v5 =	vmax.f32 v6, v4;
	v4 =	vpop (erf)  }
.LBB2_5:
0x72: {  	s0 =	sshra.s32 s31, $0x2  }
0x73: {  	v5 =	vmul.f32 $1.442695020e+00, v5;
	[tilespmem:s26+$0xA000] =	vst v4;
	s26 =	smov.u32 s28;
	s28 =	smov.u32 s30;
	p0 =	sne.s32 s31, $0x9E00  }
.Ltmp1:
0x74: {  	s31 =	sadd.s32 $0x200, s31;
	v4 =	vadd.f32 v3, v2;
	v2 =	vld [tilespmem:s0+$0x5000];
	(pc) =	sbr.rel @p0 .LBB2_5-.Ltmp1, $3  }
0x75: {  	s30 =	smov.u32 s29;
	s29 =	smov.u32 s0;
	v3 =	vld [tilespmem:s0+$0x7810];
	(erf) = vpow2.f32 v5  }
0x76: {  	v5 =	vmul.f32 $2.000000030e-01, v4;
	_ =	sdelay $0x1  }
0x77: {  	v5 =	vmax.f32 v4, v5;
	v4 =	vpop (erf)  }
0x78: {  	_ = 	snop  }
0x79: {  	v2 =	vadd.f32 v3, v2;
	_ =	sdelay $0x1  }
0x7a: {  	v3 =	vmul.f32 $2.000000030e-01, v2;
	_ =	sdelay $0x1  }
0x7b: {  	v5 =	vmul.f32 $1.442695020e+00, v5;
	v2 =	vmax.f32 v2, v3  }
0x7c: {  	v2 =	vmul.f32 $1.442695020e+00, v2  }
0x7d: {  	(erf) = vpow2.f32 v5  }
0x7e: {  	(erf) = vpow2.f32 v2;
	_ =	sdelay $0x6  }
0x7f: {  	[tilespmem:s26+$0xA000] =	vst v4;
	v2 =	vpop (erf)  }
0x80: {  	s25 =	sadd.s32 $0x1, s25;
	[tilespmem:s28+$0xA000] =	vst v2;
	v2 =	vpop (erf)  }
0x81: {  	p0 =	sne.s32 s25, $0xFA;
	[tilespmem:s30+$0xA000] =	vst v2;
	v2 =	vpop (erf)  }
.Ltmp2:
0x82: {  	[tilespmem:s29+$0xA000] =	vst v2;
	(pc) =	sbr.rel @p0 .LBB2_4-.Ltmp2, $4  }
0x83: {  	[spmem:s1] =	stream.indirect.scatter.add.f32 [tilespmem:s16], [sflag:$0x2], $0x80, s23, s17, $0xb8;
	[tilespmem:$0x16800] =	vst v63  }
0x84: {  	_ =	swait.ge [sflag:s15], $0x2800  }
0x85: {  	[sflag:s15] =	ssyncset.done $0x0  }
0x86: {  	[sflag:s15] =	ssyncadd.s32 $0xFFFFD800  }
0x87: {  	[bflag:$0x0] =	sbarrier.arrive $0xFFFF  }
0x88: {  	[tilespmem:s16], [sflag:$0x2] =	stream.linear.gather [spmem:s6], $0x2800, $0x38;
	[tilespmem:$0x16800] =	vst v63  }
0x89: {  	_ =	swait.ge [sflag:s15], $0x2800  }
0x8a: {  	[sflag:s15] =	ssyncset.done $0x0  }
0x8b: {  	[sflag:s15] =	ssyncadd.s32 $0xFFFFD800  }
0x8c: {  	[hbm4b:s10+s3] =	stream.linear.scatter [tilespmem:s16], [sflag:$0x2], $0x2800, $0x38;
	[tilespmem:$0x16800] =	vst v63  }
0x8d: {  	_ =	swait.ge [sflag:s15], $0x2800  }
0x8e: {  	[sflag:s15] =	ssyncset.done $0x0  }
0x8f: {  	[sflag:s15] =	ssyncadd.s32 $0xFFFFD800  }
0x90: {  	[tilespmem:s16], [sflag:$0x2] =	stream.linear.gather [spmem:s7], $0x2800, $0x38;
	[tilespmem:$0x16800] =	vst v63  }
0x91: {  	_ =	swait.ge [sflag:s15], $0x2800  }
0x92: {  	[sflag:s15] =	ssyncset.done $0x0  }
0x93: {  	[sflag:s15] =	ssyncadd.s32 $0xFFFFD800  }
0x94: {  	[hbm4b:s11+s3] =	stream.linear.scatter [tilespmem:s16], [sflag:$0x2], $0x2800, $0x38;
	[tilespmem:$0x16800] =	vst v63  }
0x95: {  	_ =	swait.ge [sflag:s15], $0x2800  }
0x96: {  	[sflag:s15] =	ssyncset.done $0x0  }
0x97: {  	[sflag:s15] =	ssyncadd.s32 $0xFFFFD800  }
0x98: {  	[tilespmem:s16], [sflag:$0x2] =	stream.linear.gather [spmem:s8], $0x2800, $0x38;
	[tilespmem:$0x16800] =	vst v63  }
0x99: {  	_ =	swait.ge [sflag:s15], $0x2800  }
0x9a: {  	[sflag:s15] =	ssyncset.done $0x0  }
0x9b: {  	[sflag:s15] =	ssyncadd.s32 $0xFFFFD800  }
0x9c: {  	[hbm4b:s12+s3] =	stream.linear.scatter [tilespmem:s16], [sflag:$0x2], $0x2800, $0x38;
	[tilespmem:$0x16800] =	vst v63  }
0x9d: {  	_ =	swait.ge [sflag:s15], $0x2800  }
0x9e: {  	[sflag:s15] =	ssyncset.done $0x0  }
0x9f: {  	[sflag:s15] =	ssyncadd.s32 $0xFFFFD800  }
0xa0: {  	[tilespmem:s16], [sflag:$0x2] =	stream.linear.gather [spmem:s9], $0x2800, $0x38;
	[tilespmem:$0x16800] =	vst v63  }
0xa1: {  	s24 =	sadd.s32 $0x1, s24;
	_ =	swait.ge [sflag:s15], $0x2800  }
0xa2: {  	p0 =	sne.s32 s24, s14;
	[sflag:s15] =	ssyncset.done $0x0  }
.Ltmp3:
0xa3: {  	[sflag:s15] =	ssyncadd.s32 $0xFFFFD800;
	(pc) =	sbr.rel @p0 .LBB2_1-.Ltmp3, $4  }
0xa4: {  	[hbm4b:s13+s3] =	stream.linear.scatter [tilespmem:s16], [sflag:$0x2], $0x2800, $0x38;
	[tilespmem:$0x16800] =	vst v63  }
0xa5: {  	_ =	swait.ge [sflag:s15], $0x2800  }
0xa6: {  	[sflag:s15] =	ssyncset.done $0x0  }
0xa7: {  	[sflag:s15] =	ssyncadd.s32 $0xFFFFD800  }
0xa8: {  	_ =	sfence.sel $0x180000  }
0xa9: {  	[bflag:$0x0] =	sbarrier.arrive $0xFFFF  }
0xaa: {  	_ =	strace $0x9000004A  }
0xab: {  	[bflag:$0x2] =	sbarrier.arrive $0xFFFF  }
0xac: {  	p0 =	sne.s32 s2, $0x0;
	s0 =	rddreg [dreg:$0x3]  }
0xad: {  	s0 =	sadd.s32 @!p0 $0x100000, s0  }
0xae: {  	[sflag:s0] =	ssyncadd.tile.s32 @!p0 $0x1;
	_ =	shalt  }
.Lfunc_end2:
_tile_overlayer_lowered:
.L_overlay_start_2:
0xaf: {  	(tag) =	ssettag $0x2  }
0xb0: {  	s0 =	rddreg [dreg:$0x0];
	s2 =	stileid.u32  }
0xb1: {  	s1 =	rddreg [dreg:$0x1];
	p0 =	sne.s32 s2, $0x0  }
0xb2: {  	s3 =	rddreg [dreg:$0x2];
	[bflag:$0x3] =	sbarrier.arrive $0xFFFF;
	s2 =	simm.s32 @!p0 $0x1C02  }
0xb3: {  	[timem:s3], [sflag:s2] =	dma.local @!p0 [hbm:s0], s1  }
0xb4: {  	s0 =	simm.s32 @!p0 $0x2  }
0xb5: {  	_ =	swait.ge @!p0 [sflag:s0], s1  }
0xb6: {  	s1 =	ssub.s32 @!p0 $0x0, s1;
	[sflag:s0] =	ssyncset.done @!p0 $0x0  }
0xb7: {  	[sflag:s0] =	ssyncadd.s32 @!p0 s1  }
0xb8: {  	[bflag:$0x3] =	sbarrier.arrive $0xFFFF  }
0xb9: {  	_ =	shalt  }

</sc_bundles>
